<compile_context>
chip_gen: v7x
topology: tpu7x:2x2x1
jax: 0.10.2.dev20260603
libtpu: 0.0.44.dev20260713+nightly
codegen_flags: <defaults>
</compile_context>

<pallas_src>
import functools

import jax
import jax.numpy as jnp
from jax import lax
from jax.experimental import pallas as pl
from jax.experimental.pallas import tpu as pltpu
from jax.experimental.pallas import tpu_sc as plsc

MAX_ATOMIC_NUM = 100
EMB_SIZE = 128
N_ATOMS = 100000

NC = 2
NS = 16
NW = NC * NS

CHUNK = 128
GCHUNKS = 3
GROUP = GCHUNKS * CHUNK
NGROUPS = 8
B_PER_W = NGROUPS * GROUP + CHUNK
EXTRA_OFF = NGROUPS * GROUP
LAST_W = NW - 1
LAST_START = LAST_W * B_PER_W
LAST_ROWS = 800
LAST_NGROUPS = 2
TAIL = 32
TAIL_OFF = N_ATOMS - TAIL


def _emb_body(table_hbm, z_hbm, out_hbm, table_s, idx_v, buf_a, buf_b,
              idx_t, rows_t, isem, ga, gb, wa, wb, tsem):
    s = lax.axis_index("s")
    c = lax.axis_index("c")
    wid = s * NC + c
    start = wid * B_PER_W

    @pl.when(wid < LAST_W)
    def _stage_idx_full():
        pltpu.async_copy(z_hbm.at[pl.ds(start, B_PER_W)], idx_v, isem).wait()

    @pl.when(wid == LAST_W)
    def _stage_idx_short():
        pltpu.async_copy(z_hbm.at[pl.ds(LAST_START, LAST_ROWS)],
                         idx_v.at[pl.ds(0, LAST_ROWS)], isem).wait()

    @pl.when(s == 0)
    def _stage_table():
        pltpu.sync_copy(table_hbm, table_s)

    plsc.subcore_barrier()

    bufs = (buf_a, buf_b)
    gsems = (ga, gb)
    wsems = (wa, wb)
    ng = jnp.where(wid == LAST_W, LAST_NGROUPS, NGROUPS)

    def fire_gathers(g, half):
        loc = pl.multiple_of(g * GROUP, CHUNK)
        for k in range(GCHUNKS):
            pltpu.async_copy(
                table_s.at[idx_v.at[pl.ds(loc + k * CHUNK, CHUNK)]],
                bufs[half].at[pl.ds(k * CHUNK, CHUNK)], gsems[half])

    def gathers_done(half):
        pltpu.make_async_copy(out_hbm.at[pl.ds(0, GROUP)], bufs[half],
                              gsems[half]).wait()

    def write_group(g, half):
        off = pl.multiple_of(start + g * GROUP, CHUNK)
        return pltpu.make_async_copy(
            bufs[half], out_hbm.at[pl.ds(off, GROUP)], wsems[half])

    @pl.loop(0, ng, step=2)
    def _pair(g0):
        for half in range(2):
            g = g0 + half

            @pl.when(g0 > 0)
            def _buffer_free(g=g, half=half):
                write_group(g - 2, half).wait()

            fire_gathers(g, half)
            if half == 0:
                @pl.when(g0 > 0)
                def _retire_prev(g=g):
                    gathers_done(1)
                    write_group(g - 1, 1).start()
            else:
                gathers_done(0)
                write_group(g - 1, 0).start()

    gathers_done(1)
    write_group(ng - 1, 1).start()

    @pl.when(wid < LAST_W)
    def _extra_chunk():
        write_group(NGROUPS - 2, 0).wait()
        pltpu.async_copy(
            table_s.at[idx_v.at[pl.ds(EXTRA_OFF, CHUNK)]],
            buf_a.at[pl.ds(0, CHUNK)], ga).wait()
        pltpu.async_copy(
            buf_a.at[pl.ds(0, CHUNK)],
            out_hbm.at[pl.ds(start + EXTRA_OFF, CHUNK)], wa).wait()

    @pl.when(wid == LAST_W)
    def _short_drain_a():
        write_group(0, 0).wait()

    @pl.when(wid == LAST_W)
    def _tail():
        pltpu.sync_copy(z_hbm.at[pl.ds(TAIL_OFF, TAIL)], idx_t)
        pltpu.async_copy(table_s.at[idx_t], rows_t, tsem).wait()
        pltpu.sync_copy(rows_t, out_hbm.at[pl.ds(TAIL_OFF, TAIL)])

    write_group(ng - 1, 1).wait()


_emb = functools.partial(
    pl.kernel,
    mesh=plsc.VectorSubcoreMesh(core_axis_name="c", subcore_axis_name="s"),
    out_type=jax.ShapeDtypeStruct((N_ATOMS, EMB_SIZE), jnp.float32),
    scratch_types=[
        pltpu.VMEM_SHARED((MAX_ATOMIC_NUM, EMB_SIZE), jnp.float32),
        pltpu.VMEM((B_PER_W,), jnp.int32),
        pltpu.VMEM((GROUP, EMB_SIZE), jnp.float32),
        pltpu.VMEM((GROUP, EMB_SIZE), jnp.float32),
        pltpu.VMEM((TAIL,), jnp.int32),
        pltpu.VMEM((TAIL, EMB_SIZE), jnp.float32),
    ] + [pltpu.SemaphoreType.DMA] * 6,
)(_emb_body)


def kernel(Z, table):
    return _emb(table, jnp.asarray(Z, jnp.int32))

# --- scband reference (transcript-rebuilt; emitter-appended) ---
"""Pipeline reference for scband-atom-embedding-74028056314212 (READ-ONLY COPY).

The authoritative reference and input builder live on the scoring server;
editing this copy changes nothing except your own understanding.
"""

import jax, jax.numpy as jnp
import numpy as np

MAX_ATOMIC_NUM = 100
EMB_SIZE = 128
N_ATOMS = 100000

def setup_inputs(seed: int = 0) -> dict:
    key = jax.random.key(seed)
    k1, k2 = jax.random.split(key)
    Z = jax.random.randint(k1, (N_ATOMS,), 0, MAX_ATOMIC_NUM, dtype=jnp.int64 if jax.config.jax_enable_x64 else jnp.int32)
    # nn.init.uniform_(weight, a=-sqrt(3), b=sqrt(3))
    a = -np.sqrt(3)
    b = np.sqrt(3)
    table = jax.random.uniform(k2, (MAX_ATOMIC_NUM, EMB_SIZE), dtype=jnp.float32, minval=a, maxval=b)
    return {"Z": Z, "table": table}

def reference(Z, table):
    # AtomEmbedding.forward: h = self.embeddings(Z)
    h = jnp.take(table, Z, axis=0)
    return h

if __name__ == "__main__":
    import jax
    _d = setup_inputs()
    print(jax.jit(kernel)(*tuple(_d.values())))

</pallas_src>

<mosaic_0001>
#map = affine_map<(d0, d1) -> (0, 0)>
#map1 = affine_map<(d0, d1) -> (0)>
module attributes {stable_mosaic.version = 14 : i64} {
  func.func @_emb_body(%arg0: i32, %arg1: i32, %arg2: memref<100x128xf32, #tpu.memory_space<hbm>>, %arg3: memref<100000xi32, #tpu.memory_space<hbm>>, %arg4: memref<100000x128xf32, #tpu.memory_space<hbm>>, %arg5: memref<100x128xf32, #tpu.memory_space<vmem_shared>>, %arg6: memref<3200xi32, #tpu.memory_space<vmem>>, %arg7: memref<384x128xf32, #tpu.memory_space<vmem>>, %arg8: memref<384x128xf32, #tpu.memory_space<vmem>>, %arg9: memref<32xi32, #tpu.memory_space<vmem>>, %arg10: memref<32x128xf32, #tpu.memory_space<vmem>>, %arg11: memref<!tpu.dma_semaphore, #tpu.memory_space<semaphore_mem>>, %arg12: memref<!tpu.dma_semaphore, #tpu.memory_space<semaphore_mem>>, %arg13: memref<!tpu.dma_semaphore, #tpu.memory_space<semaphore_mem>>, %arg14: memref<!tpu.dma_semaphore, #tpu.memory_space<semaphore_mem>>, %arg15: memref<!tpu.dma_semaphore, #tpu.memory_space<semaphore_mem>>, %arg16: memref<!tpu.dma_semaphore, #tpu.memory_space<semaphore_mem>>) attributes {dimension_semantics = [#tpu.dimension_semantics<core_parallel>, #tpu.dimension_semantics<subcore_parallel>], iteration_bounds = array<i64: 2, 16>, scalar_prefetch = 0 : i64, scratch_operands = 12 : i64, tpu.core_type = #tpu.core_type<sc_vector_subcore>, window_params = [{transform_indices = #map}, {transform_indices = #map1}, {transform_indices = #map}]} {
    %mul3A = arith.constant 2 : i32
    %mul3A_0 = arith.muli %arg1, %mul3A : i32
    %add3A = arith.addi %mul3A_0, %arg0 : i32
    %mul3A_1 = arith.constant 3200 : i32
    %mul3A_2 = arith.muli %add3A, %mul3A_1 : i32
    %lt3A = arith.constant 31 : i32
    %lt3A_3 = arith.cmpi slt, %add3A, %lt3A : i32
    %convert_element_type3A = arith.extui %lt3A_3 : i1 to i32
    %cond3A = arith.constant 0 : i32
    %cond3A_4 = arith.cmpi ne, %convert_element_type3A, %cond3A : i32
    scf.if %cond3A_4 {
      %dma_start3A_71 = tpu.memref_slice %arg3[%mul3A_2] : memref<100000xi32, #tpu.memory_space<hbm>> -> memref<3200xi32, #tpu.memory_space<hbm>>
      %dma_start3A_72 = tpu.memref_slice %arg3[%mul3A_2] : memref<100000xi32, #tpu.memory_space<hbm>> -> memref<3200xi32, #tpu.memory_space<hbm>>
      tpu.enqueue_dma source(%dma_start3A_72 : memref<3200xi32, #tpu.memory_space<hbm>>) target(%arg6 : memref<3200xi32, #tpu.memory_space<vmem>>) target_semaphore(%arg11 : memref<!tpu.dma_semaphore, #tpu.memory_space<semaphore_mem>>)
      %dma_wait3A_73 = tpu.memref_slice %arg3[%mul3A_2] : memref<100000xi32, #tpu.memory_space<hbm>> -> memref<3200xi32, #tpu.memory_space<hbm>>
      %dma_wait3A_74 = tpu.memref_slice %arg3[%mul3A_2] : memref<100000xi32, #tpu.memory_space<hbm>> -> memref<3200xi32, #tpu.memory_space<hbm>>
      tpu.wait_dma2 semaphore(%arg11 : memref<!tpu.dma_semaphore, #tpu.memory_space<semaphore_mem>>) src(%dma_wait3A_74 : memref<3200xi32, #tpu.memory_space<hbm>>) dst(%arg6 : memref<3200xi32, #tpu.memory_space<vmem>>)
    } else {
    }
    %eq3A = arith.constant 31 : i32
    %eq3A_5 = arith.cmpi eq, %add3A, %eq3A : i32
    %convert_element_type3A_6 = arith.extui %eq3A_5 : i1 to i32
    %cond3A_7 = arith.constant 0 : i32
    %cond3A_8 = arith.cmpi ne, %convert_element_type3A_6, %cond3A_7 : i32
    scf.if %cond3A_8 {
      %dma_start3A_71 = arith.constant 0 : i32
      %dma_start3A_72 = tpu.memref_slice %arg6[%dma_start3A_71] : memref<3200xi32, #tpu.memory_space<vmem>> -> memref<800xi32, #tpu.memory_space<vmem>>
      %dma_start3A_73 = arith.constant 99200 : i32
      %dma_start3A_74 = tpu.memref_slice %arg3[%dma_start3A_73] : memref<100000xi32, #tpu.memory_space<hbm>> -> memref<800xi32, #tpu.memory_space<hbm>>
      %dma_start3A_75 = arith.constant 0 : i32
      %dma_start3A_76 = tpu.memref_slice %arg6[%dma_start3A_75] : memref<3200xi32, #tpu.memory_space<vmem>> -> memref<800xi32, #tpu.memory_space<vmem>>
      %dma_start3A_77 = arith.constant 99200 : i32
      %dma_start3A_78 = tpu.memref_slice %arg3[%dma_start3A_77] : memref<100000xi32, #tpu.memory_space<hbm>> -> memref<800xi32, #tpu.memory_space<hbm>>
      tpu.enqueue_dma source(%dma_start3A_78 : memref<800xi32, #tpu.memory_space<hbm>>) target(%dma_start3A_76 : memref<800xi32, #tpu.memory_space<vmem>>) target_semaphore(%arg11 : memref<!tpu.dma_semaphore, #tpu.memory_space<semaphore_mem>>)
      %dma_wait3A_79 = arith.constant 0 : i32
      %dma_wait3A_80 = tpu.memref_slice %arg6[%dma_wait3A_79] : memref<3200xi32, #tpu.memory_space<vmem>> -> memref<800xi32, #tpu.memory_space<vmem>>
      %dma_wait3A_81 = arith.constant 99200 : i32
      %dma_wait3A_82 = tpu.memref_slice %arg3[%dma_wait3A_81] : memref<100000xi32, #tpu.memory_space<hbm>> -> memref<800xi32, #tpu.memory_space<hbm>>
      %dma_wait3A_83 = arith.constant 0 : i32
      %dma_wait3A_84 = tpu.memref_slice %arg6[%dma_wait3A_83] : memref<3200xi32, #tpu.memory_space<vmem>> -> memref<800xi32, #tpu.memory_space<vmem>>
      %dma_wait3A_85 = arith.constant 99200 : i32
      %dma_wait3A_86 = tpu.memref_slice %arg3[%dma_wait3A_85] : memref<100000xi32, #tpu.memory_space<hbm>> -> memref<800xi32, #tpu.memory_space<hbm>>
      tpu.wait_dma2 semaphore(%arg11 : memref<!tpu.dma_semaphore, #tpu.memory_space<semaphore_mem>>) src(%dma_wait3A_86 : memref<800xi32, #tpu.memory_space<hbm>>) dst(%dma_wait3A_84 : memref<800xi32, #tpu.memory_space<vmem>>)
    } else {
    }
    %eq3A_9 = arith.constant 0 : i32
    %eq3A_10 = arith.cmpi eq, %arg1, %eq3A_9 : i32
    %convert_element_type3A_11 = arith.extui %eq3A_10 : i1 to i32
    %cond3A_12 = arith.constant 0 : i32
    %cond3A_13 = arith.cmpi ne, %convert_element_type3A_11, %cond3A_12 : i32
    scf.if %cond3A_13 {
      "tpu.region"() ({
        %run_scoped3A = tpu.sem_alloc : memref<!tpu.dma_semaphore, #tpu.memory_space<semaphore_mem>>
        tpu.enqueue_dma source(%arg2 : memref<100x128xf32, #tpu.memory_space<hbm>>) target(%arg5 : memref<100x128xf32, #tpu.memory_space<vmem_shared>>) target_semaphore(%run_scoped3A : memref<!tpu.dma_semaphore, #tpu.memory_space<semaphore_mem>>)
        tpu.wait_dma2 semaphore(%run_scoped3A : memref<!tpu.dma_semaphore, #tpu.memory_space<semaphore_mem>>) src(%arg2 : memref<100x128xf32, #tpu.memory_space<hbm>>) dst(%arg5 : memref<100x128xf32, #tpu.memory_space<vmem_shared>>)
        tpu.yield
      }) : () -> ()
    } else {
    }
    %barrier3A = arith.constant 0 : index
    tpu.barrier barrier_id(%barrier3A)
    %eq3A_14 = arith.constant 31 : i32
    %eq3A_15 = arith.cmpi eq, %add3A, %eq3A_14 : i32
    %jit3A = arith.constant 2 : i32
    %jit3A_16 = arith.constant 8 : i32
    %select_n3A = arith.select %eq3A_15, %jit3A, %jit3A_16 : i32
    %sub3A = arith.constant 0 : i32
    %sub3A_17 = arith.subi %select_n3A, %sub3A : i32
    %sub3A_18 = arith.constant 2 : i32
    %sub3A_19 = arith.constant 1 : i32
    %sub3A_20 = arith.subi %sub3A_18, %sub3A_19 : i32
    %add3A_21 = arith.addi %sub3A_17, %sub3A_20 : i32
    %div3A = arith.constant 2 : i32
    %div3A_22 = arith.divsi %add3A_21, %div3A : i32
    %while3A = arith.constant 2 : i32
    %while3A_23 = arith.constant 0 : i32
    %while3A_24 = arith.constant 0 : i32
    %while3A_25 = arith.subi %div3A_22, %while3A_24 : i32
    %while3A_26 = arith.addi %while3A_24, %while3A_25 : i32
    %while3A_27 = arith.constant 1 : i32
    %while3A_28 = arith.divsi %while3A_25, %while3A_27 : i32
    %while3A_29 = arith.muli %while3A_28, %while3A_27 : i32
    %while3A_30 = arith.addi %while3A_24, %while3A_29 : i32
    %while3A_31 = arith.constant 1 : i32
    scf.for %while3A_71 = %while3A_24 to %while3A_30 step %while3A_31  : i32 {
      %mul3A_72 = arith.muli %while3A_71, %while3A : i32
      %add3A_73 = arith.addi %while3A_23, %mul3A_72 : i32
      %add3A_74 = arith.constant 0 : i32
      %add3A_75 = arith.addi %add3A_73, %add3A_74 : i32
      %gt3A = arith.constant 0 : i32
      %gt3A_76 = arith.cmpi sgt, %add3A_73, %gt3A : i32
      %convert_element_type3A_77 = arith.extui %gt3A_76 : i1 to i32
      %cond3A_78 = arith.constant 0 : i32
      %cond3A_79 = arith.cmpi ne, %convert_element_type3A_77, %cond3A_78 : i32
      scf.if %cond3A_79 {
        %sub3A_168 = arith.constant 2 : i32
        %sub3A_169 = arith.subi %add3A_75, %sub3A_168 : i32
        %mul3A_170 = arith.constant 384 : i32
        %mul3A_171 = arith.muli %sub3A_169, %mul3A_170 : i32
        %add3A_172 = arith.addi %mul3A_2, %mul3A_171 : i32
        %multiple_of3A_173 = tpu.assume_multiple %add3A_172, 128 : i32
        %dma_wait3A_174 = arith.constant 0 : i32
        %dma_wait3A_175 = tpu.memref_slice %arg4[%multiple_of3A_173, %dma_wait3A_174] : memref<100000x128xf32, #tpu.memory_space<hbm>> -> memref<384x128xf32, #tpu.memory_space<hbm>>
        %dma_wait3A_176 = arith.constant 0 : i32
        %dma_wait3A_177 = tpu.memref_slice %arg4[%multiple_of3A_173, %dma_wait3A_176] : memref<100000x128xf32, #tpu.memory_space<hbm>> -> memref<384x128xf32, #tpu.memory_space<hbm>>
        tpu.wait_dma2 semaphore(%arg14 : memref<!tpu.dma_semaphore, #tpu.memory_space<semaphore_mem>>) src(%arg7 : memref<384x128xf32, #tpu.memory_space<vmem>>) dst(%dma_wait3A_177 : memref<384x128xf32, #tpu.memory_space<hbm>>)
      } else {
      }
      %mul3A_80 = arith.constant 384 : i32
      %mul3A_81 = arith.muli %add3A_75, %mul3A_80 : i32
      %multiple_of3A_82 = tpu.assume_multiple %mul3A_81, 128 : i32
      %add3A_83 = arith.constant 0 : i32
      %add3A_84 = arith.addi %multiple_of3A_82, %add3A_83 : i32
      %dma_start3A_85 = arith.constant 0 : i32
      %dma_start3A_86 = arith.constant 0 : i32
      %dma_start3A_87 = tpu.memref_slice %arg7[%dma_start3A_85, %dma_start3A_86] : memref<384x128xf32, #tpu.memory_space<vmem>> -> memref<128x128xf32, #tpu.memory_space<vmem>>
      %dma_start3A_88 = tpu.memref_slice %arg6[%add3A_84] : memref<3200xi32, #tpu.memory_space<vmem>> -> memref<128xi32, #tpu.memory_space<vmem>>
      %dma_start3A_89 = arith.constant 0 : i32
      %dma_start3A_90 = arith.constant 0 : i32
      %dma_start3A_91 = tpu.memref_slice %arg5[%dma_start3A_89, %dma_start3A_90] : memref<100x128xf32, #tpu.memory_space<vmem_shared>> -> memref<100x128xf32, #tpu.memory_space<vmem_shared>>
      tpu.enqueue_indirect_dma source(%dma_start3A_91 : memref<100x128xf32, #tpu.memory_space<vmem_shared>>) target(%dma_start3A_87 : memref<128x128xf32, #tpu.memory_space<vmem>>) offsets(%dma_start3A_88 : memref<128xi32, #tpu.memory_space<vmem>>) semaphore(%arg12 : memref<!tpu.dma_semaphore, #tpu.memory_space<semaphore_mem>>)
      %add3A_92 = arith.constant 128 : i32
      %add3A_93 = arith.addi %multiple_of3A_82, %add3A_92 : i32
      %dma_start3A_94 = arith.constant 128 : i32
      %dma_start3A_95 = arith.constant 0 : i32
      %dma_start3A_96 = tpu.memref_slice %arg7[%dma_start3A_94, %dma_start3A_95] : memref<384x128xf32, #tpu.memory_space<vmem>> -> memref<128x128xf32, #tpu.memory_space<vmem>>
      %dma_start3A_97 = tpu.memref_slice %arg6[%add3A_93] : memref<3200xi32, #tpu.memory_space<vmem>> -> memref<128xi32, #tpu.memory_space<vmem>>
      %dma_start3A_98 = arith.constant 0 : i32
      %dma_start3A_99 = arith.constant 0 : i32
      %dma_start3A_100 = tpu.memref_slice %arg5[%dma_start3A_98, %dma_start3A_99] : memref<100x128xf32, #tpu.memory_space<vmem_shared>> -> memref<100x128xf32, #tpu.memory_space<vmem_shared>>
      tpu.enqueue_indirect_dma source(%dma_start3A_100 : memref<100x128xf32, #tpu.memory_space<vmem_shared>>) target(%dma_start3A_96 : memref<128x128xf32, #tpu.memory_space<vmem>>) offsets(%dma_start3A_97 : memref<128xi32, #tpu.memory_space<vmem>>) semaphore(%arg12 : memref<!tpu.dma_semaphore, #tpu.memory_space<semaphore_mem>>)
      %add3A_101 = arith.constant 256 : i32
      %add3A_102 = arith.addi %multiple_of3A_82, %add3A_101 : i32
      %dma_start3A_103 = arith.constant 256 : i32
      %dma_start3A_104 = arith.constant 0 : i32
      %dma_start3A_105 = tpu.memref_slice %arg7[%dma_start3A_103, %dma_start3A_104] : memref<384x128xf32, #tpu.memory_space<vmem>> -> memref<128x128xf32, #tpu.memory_space<vmem>>
      %dma_start3A_106 = tpu.memref_slice %arg6[%add3A_102] : memref<3200xi32, #tpu.memory_space<vmem>> -> memref<128xi32, #tpu.memory_space<vmem>>
      %dma_start3A_107 = arith.constant 0 : i32
      %dma_start3A_108 = arith.constant 0 : i32
      %dma_start3A_109 = tpu.memref_slice %arg5[%dma_start3A_107, %dma_start3A_108] : memref<100x128xf32, #tpu.memory_space<vmem_shared>> -> memref<100x128xf32, #tpu.memory_space<vmem_shared>>
      tpu.enqueue_indirect_dma source(%dma_start3A_109 : memref<100x128xf32, #tpu.memory_space<vmem_shared>>) target(%dma_start3A_105 : memref<128x128xf32, #tpu.memory_space<vmem>>) offsets(%dma_start3A_106 : memref<128xi32, #tpu.memory_space<vmem>>) semaphore(%arg12 : memref<!tpu.dma_semaphore, #tpu.memory_space<semaphore_mem>>)
      %gt3A_110 = arith.constant 0 : i32
      %gt3A_111 = arith.cmpi sgt, %add3A_73, %gt3A_110 : i32
      %convert_element_type3A_112 = arith.extui %gt3A_111 : i1 to i32
      %cond3A_113 = arith.constant 0 : i32
      %cond3A_114 = arith.cmpi ne, %convert_element_type3A_112, %cond3A_113 : i32
      scf.if %cond3A_114 {
        %dma_wait3A_168 = arith.constant 0 : i32
        %dma_wait3A_169 = arith.constant 0 : i32
        %dma_wait3A_170 = tpu.memref_slice %arg4[%dma_wait3A_168, %dma_wait3A_169] : memref<100000x128xf32, #tpu.memory_space<hbm>> -> memref<384x128xf32, #tpu.memory_space<hbm>>
        %dma_wait3A_171 = arith.constant 0 : i32
        %dma_wait3A_172 = arith.constant 0 : i32
        %dma_wait3A_173 = tpu.memref_slice %arg4[%dma_wait3A_171, %dma_wait3A_172] : memref<100000x128xf32, #tpu.memory_space<hbm>> -> memref<384x128xf32, #tpu.memory_space<hbm>>
        tpu.wait_dma2 semaphore(%arg13 : memref<!tpu.dma_semaphore, #tpu.memory_space<semaphore_mem>>) src(%dma_wait3A_173 : memref<384x128xf32, #tpu.memory_space<hbm>>) dst(%arg8 : memref<384x128xf32, #tpu.memory_space<vmem>>)
        %sub3A_174 = arith.constant 1 : i32
        %sub3A_175 = arith.subi %add3A_75, %sub3A_174 : i32
        %mul3A_176 = arith.constant 384 : i32
        %mul3A_177 = arith.muli %sub3A_175, %mul3A_176 : i32
        %add3A_178 = arith.addi %mul3A_2, %mul3A_177 : i32
        %multiple_of3A_179 = tpu.assume_multiple %add3A_178, 128 : i32
        %dma_start3A_180 = arith.constant 0 : i32
        %dma_start3A_181 = tpu.memref_slice %arg4[%multiple_of3A_179, %dma_start3A_180] : memref<100000x128xf32, #tpu.memory_space<hbm>> -> memref<384x128xf32, #tpu.memory_space<hbm>>
        %dma_start3A_182 = arith.constant 0 : i32
        %dma_start3A_183 = tpu.memref_slice %arg4[%multiple_of3A_179, %dma_start3A_182] : memref<100000x128xf32, #tpu.memory_space<hbm>> -> memref<384x128xf32, #tpu.memory_space<hbm>>
        tpu.enqueue_dma source(%arg8 : memref<384x128xf32, #tpu.memory_space<vmem>>) target(%dma_start3A_183 : memref<384x128xf32, #tpu.memory_space<hbm>>) target_semaphore(%arg15 : memref<!tpu.dma_semaphore, #tpu.memory_space<semaphore_mem>>)
      } else {
      }
      %add3A_115 = arith.constant 1 : i32
      %add3A_116 = arith.addi %add3A_73, %add3A_115 : i32
      %gt3A_117 = arith.constant 0 : i32
      %gt3A_118 = arith.cmpi sgt, %add3A_73, %gt3A_117 : i32
      %convert_element_type3A_119 = arith.extui %gt3A_118 : i1 to i32
      %cond3A_120 = arith.constant 0 : i32
      %cond3A_121 = arith.cmpi ne, %convert_element_type3A_119, %cond3A_120 : i32
      scf.if %cond3A_121 {
        %sub3A_168 = arith.constant 2 : i32
        %sub3A_169 = arith.subi %add3A_116, %sub3A_168 : i32
        %mul3A_170 = arith.constant 384 : i32
        %mul3A_171 = arith.muli %sub3A_169, %mul3A_170 : i32
        %add3A_172 = arith.addi %mul3A_2, %mul3A_171 : i32
        %multiple_of3A_173 = tpu.assume_multiple %add3A_172, 128 : i32
        %dma_wait3A_174 = arith.constant 0 : i32
        %dma_wait3A_175 = tpu.memref_slice %arg4[%multiple_of3A_173, %dma_wait3A_174] : memref<100000x128xf32, #tpu.memory_space<hbm>> -> memref<384x128xf32, #tpu.memory_space<hbm>>
        %dma_wait3A_176 = arith.constant 0 : i32
        %dma_wait3A_177 = tpu.memref_slice %arg4[%multiple_of3A_173, %dma_wait3A_176] : memref<100000x128xf32, #tpu.memory_space<hbm>> -> memref<384x128xf32, #tpu.memory_space<hbm>>
        tpu.wait_dma2 semaphore(%arg15 : memref<!tpu.dma_semaphore, #tpu.memory_space<semaphore_mem>>) src(%arg8 : memref<384x128xf32, #tpu.memory_space<vmem>>) dst(%dma_wait3A_177 : memref<384x128xf32, #tpu.memory_space<hbm>>)
      } else {
      }
      %mul3A_122 = arith.constant 384 : i32
      %mul3A_123 = arith.muli %add3A_116, %mul3A_122 : i32
      %multiple_of3A_124 = tpu.assume_multiple %mul3A_123, 128 : i32
      %add3A_125 = arith.constant 0 : i32
      %add3A_126 = arith.addi %multiple_of3A_124, %add3A_125 : i32
      %dma_start3A_127 = arith.constant 0 : i32
      %dma_start3A_128 = arith.constant 0 : i32
      %dma_start3A_129 = tpu.memref_slice %arg8[%dma_start3A_127, %dma_start3A_128] : memref<384x128xf32, #tpu.memory_space<vmem>> -> memref<128x128xf32, #tpu.memory_space<vmem>>
      %dma_start3A_130 = tpu.memref_slice %arg6[%add3A_126] : memref<3200xi32, #tpu.memory_space<vmem>> -> memref<128xi32, #tpu.memory_space<vmem>>
      %dma_start3A_131 = arith.constant 0 : i32
      %dma_start3A_132 = arith.constant 0 : i32
      %dma_start3A_133 = tpu.memref_slice %arg5[%dma_start3A_131, %dma_start3A_132] : memref<100x128xf32, #tpu.memory_space<vmem_shared>> -> memref<100x128xf32, #tpu.memory_space<vmem_shared>>
      tpu.enqueue_indirect_dma source(%dma_start3A_133 : memref<100x128xf32, #tpu.memory_space<vmem_shared>>) target(%dma_start3A_129 : memref<128x128xf32, #tpu.memory_space<vmem>>) offsets(%dma_start3A_130 : memref<128xi32, #tpu.memory_space<vmem>>) semaphore(%arg13 : memref<!tpu.dma_semaphore, #tpu.memory_space<semaphore_mem>>)
      %add3A_134 = arith.constant 128 : i32
      %add3A_135 = arith.addi %multiple_of3A_124, %add3A_134 : i32
      %dma_start3A_136 = arith.constant 128 : i32
      %dma_start3A_137 = arith.constant 0 : i32
      %dma_start3A_138 = tpu.memref_slice %arg8[%dma_start3A_136, %dma_start3A_137] : memref<384x128xf32, #tpu.memory_space<vmem>> -> memref<128x128xf32, #tpu.memory_space<vmem>>
      %dma_start3A_139 = tpu.memref_slice %arg6[%add3A_135] : memref<3200xi32, #tpu.memory_space<vmem>> -> memref<128xi32, #tpu.memory_space<vmem>>
      %dma_start3A_140 = arith.constant 0 : i32
      %dma_start3A_141 = arith.constant 0 : i32
      %dma_start3A_142 = tpu.memref_slice %arg5[%dma_start3A_140, %dma_start3A_141] : memref<100x128xf32, #tpu.memory_space<vmem_shared>> -> memref<100x128xf32, #tpu.memory_space<vmem_shared>>
      tpu.enqueue_indirect_dma source(%dma_start3A_142 : memref<100x128xf32, #tpu.memory_space<vmem_shared>>) target(%dma_start3A_138 : memref<128x128xf32, #tpu.memory_space<vmem>>) offsets(%dma_start3A_139 : memref<128xi32, #tpu.memory_space<vmem>>) semaphore(%arg13 : memref<!tpu.dma_semaphore, #tpu.memory_space<semaphore_mem>>)
      %add3A_143 = arith.constant 256 : i32
      %add3A_144 = arith.addi %multiple_of3A_124, %add3A_143 : i32
      %dma_start3A_145 = arith.constant 256 : i32
      %dma_start3A_146 = arith.constant 0 : i32
      %dma_start3A_147 = tpu.memref_slice %arg8[%dma_start3A_145, %dma_start3A_146] : memref<384x128xf32, #tpu.memory_space<vmem>> -> memref<128x128xf32, #tpu.memory_space<vmem>>
      %dma_start3A_148 = tpu.memref_slice %arg6[%add3A_144] : memref<3200xi32, #tpu.memory_space<vmem>> -> memref<128xi32, #tpu.memory_space<vmem>>
      %dma_start3A_149 = arith.constant 0 : i32
      %dma_start3A_150 = arith.constant 0 : i32
      %dma_start3A_151 = tpu.memref_slice %arg5[%dma_start3A_149, %dma_start3A_150] : memref<100x128xf32, #tpu.memory_space<vmem_shared>> -> memref<100x128xf32, #tpu.memory_space<vmem_shared>>
      tpu.enqueue_indirect_dma source(%dma_start3A_151 : memref<100x128xf32, #tpu.memory_space<vmem_shared>>) target(%dma_start3A_147 : memref<128x128xf32, #tpu.memory_space<vmem>>) offsets(%dma_start3A_148 : memref<128xi32, #tpu.memory_space<vmem>>) semaphore(%arg13 : memref<!tpu.dma_semaphore, #tpu.memory_space<semaphore_mem>>)
      %dma_wait3A_152 = arith.constant 0 : i32
      %dma_wait3A_153 = arith.constant 0 : i32
      %dma_wait3A_154 = tpu.memref_slice %arg4[%dma_wait3A_152, %dma_wait3A_153] : memref<100000x128xf32, #tpu.memory_space<hbm>> -> memref<384x128xf32, #tpu.memory_space<hbm>>
      %dma_wait3A_155 = arith.constant 0 : i32
      %dma_wait3A_156 = arith.constant 0 : i32
      %dma_wait3A_157 = tpu.memref_slice %arg4[%dma_wait3A_155, %dma_wait3A_156] : memref<100000x128xf32, #tpu.memory_space<hbm>> -> memref<384x128xf32, #tpu.memory_space<hbm>>
      tpu.wait_dma2 semaphore(%arg12 : memref<!tpu.dma_semaphore, #tpu.memory_space<semaphore_mem>>) src(%dma_wait3A_157 : memref<384x128xf32, #tpu.memory_space<hbm>>) dst(%arg7 : memref<384x128xf32, #tpu.memory_space<vmem>>)
      %sub3A_158 = arith.constant 1 : i32
      %sub3A_159 = arith.subi %add3A_116, %sub3A_158 : i32
      %mul3A_160 = arith.constant 384 : i32
      %mul3A_161 = arith.muli %sub3A_159, %mul3A_160 : i32
      %add3A_162 = arith.addi %mul3A_2, %mul3A_161 : i32
      %multiple_of3A_163 = tpu.assume_multiple %add3A_162, 128 : i32
      %dma_start3A_164 = arith.constant 0 : i32
      %dma_start3A_165 = tpu.memref_slice %arg4[%multiple_of3A_163, %dma_start3A_164] : memref<100000x128xf32, #tpu.memory_space<hbm>> -> memref<384x128xf32, #tpu.memory_space<hbm>>
      %dma_start3A_166 = arith.constant 0 : i32
      %dma_start3A_167 = tpu.memref_slice %arg4[%multiple_of3A_163, %dma_start3A_166] : memref<100000x128xf32, #tpu.memory_space<hbm>> -> memref<384x128xf32, #tpu.memory_space<hbm>>
      tpu.enqueue_dma source(%arg7 : memref<384x128xf32, #tpu.memory_space<vmem>>) target(%dma_start3A_167 : memref<384x128xf32, #tpu.memory_space<hbm>>) target_semaphore(%arg14 : memref<!tpu.dma_semaphore, #tpu.memory_space<semaphore_mem>>)
    }
    %while3A_32 = arith.constant 1 : i32
    scf.for %while3A_71 = %while3A_30 to %while3A_26 step %while3A_32  : i32 {
      %mul3A_72 = arith.muli %while3A_71, %while3A : i32
      %add3A_73 = arith.addi %while3A_23, %mul3A_72 : i32
      %add3A_74 = arith.constant 0 : i32
      %add3A_75 = arith.addi %add3A_73, %add3A_74 : i32
      %gt3A = arith.constant 0 : i32
      %gt3A_76 = arith.cmpi sgt, %add3A_73, %gt3A : i32
      %convert_element_type3A_77 = arith.extui %gt3A_76 : i1 to i32
      %cond3A_78 = arith.constant 0 : i32
      %cond3A_79 = arith.cmpi ne, %convert_element_type3A_77, %cond3A_78 : i32
      scf.if %cond3A_79 {
        %sub3A_168 = arith.constant 2 : i32
        %sub3A_169 = arith.subi %add3A_75, %sub3A_168 : i32
        %mul3A_170 = arith.constant 384 : i32
        %mul3A_171 = arith.muli %sub3A_169, %mul3A_170 : i32
        %add3A_172 = arith.addi %mul3A_2, %mul3A_171 : i32
        %multiple_of3A_173 = tpu.assume_multiple %add3A_172, 128 : i32
        %dma_wait3A_174 = arith.constant 0 : i32
        %dma_wait3A_175 = tpu.memref_slice %arg4[%multiple_of3A_173, %dma_wait3A_174] : memref<100000x128xf32, #tpu.memory_space<hbm>> -> memref<384x128xf32, #tpu.memory_space<hbm>>
        %dma_wait3A_176 = arith.constant 0 : i32
        %dma_wait3A_177 = tpu.memref_slice %arg4[%multiple_of3A_173, %dma_wait3A_176] : memref<100000x128xf32, #tpu.memory_space<hbm>> -> memref<384x128xf32, #tpu.memory_space<hbm>>
        tpu.wait_dma2 semaphore(%arg14 : memref<!tpu.dma_semaphore, #tpu.memory_space<semaphore_mem>>) src(%arg7 : memref<384x128xf32, #tpu.memory_space<vmem>>) dst(%dma_wait3A_177 : memref<384x128xf32, #tpu.memory_space<hbm>>)
      } else {
      }
      %mul3A_80 = arith.constant 384 : i32
      %mul3A_81 = arith.muli %add3A_75, %mul3A_80 : i32
      %multiple_of3A_82 = tpu.assume_multiple %mul3A_81, 128 : i32
      %add3A_83 = arith.constant 0 : i32
      %add3A_84 = arith.addi %multiple_of3A_82, %add3A_83 : i32
      %dma_start3A_85 = arith.constant 0 : i32
      %dma_start3A_86 = arith.constant 0 : i32
      %dma_start3A_87 = tpu.memref_slice %arg7[%dma_start3A_85, %dma_start3A_86] : memref<384x128xf32, #tpu.memory_space<vmem>> -> memref<128x128xf32, #tpu.memory_space<vmem>>
      %dma_start3A_88 = tpu.memref_slice %arg6[%add3A_84] : memref<3200xi32, #tpu.memory_space<vmem>> -> memref<128xi32, #tpu.memory_space<vmem>>
      %dma_start3A_89 = arith.constant 0 : i32
      %dma_start3A_90 = arith.constant 0 : i32
      %dma_start3A_91 = tpu.memref_slice %arg5[%dma_start3A_89, %dma_start3A_90] : memref<100x128xf32, #tpu.memory_space<vmem_shared>> -> memref<100x128xf32, #tpu.memory_space<vmem_shared>>
      tpu.enqueue_indirect_dma source(%dma_start3A_91 : memref<100x128xf32, #tpu.memory_space<vmem_shared>>) target(%dma_start3A_87 : memref<128x128xf32, #tpu.memory_space<vmem>>) offsets(%dma_start3A_88 : memref<128xi32, #tpu.memory_space<vmem>>) semaphore(%arg12 : memref<!tpu.dma_semaphore, #tpu.memory_space<semaphore_mem>>)
      %add3A_92 = arith.constant 128 : i32
      %add3A_93 = arith.addi %multiple_of3A_82, %add3A_92 : i32
      %dma_start3A_94 = arith.constant 128 : i32
      %dma_start3A_95 = arith.constant 0 : i32
      %dma_start3A_96 = tpu.memref_slice %arg7[%dma_start3A_94, %dma_start3A_95] : memref<384x128xf32, #tpu.memory_space<vmem>> -> memref<128x128xf32, #tpu.memory_space<vmem>>
      %dma_start3A_97 = tpu.memref_slice %arg6[%add3A_93] : memref<3200xi32, #tpu.memory_space<vmem>> -> memref<128xi32, #tpu.memory_space<vmem>>
      %dma_start3A_98 = arith.constant 0 : i32
      %dma_start3A_99 = arith.constant 0 : i32
      %dma_start3A_100 = tpu.memref_slice %arg5[%dma_start3A_98, %dma_start3A_99] : memref<100x128xf32, #tpu.memory_space<vmem_shared>> -> memref<100x128xf32, #tpu.memory_space<vmem_shared>>
      tpu.enqueue_indirect_dma source(%dma_start3A_100 : memref<100x128xf32, #tpu.memory_space<vmem_shared>>) target(%dma_start3A_96 : memref<128x128xf32, #tpu.memory_space<vmem>>) offsets(%dma_start3A_97 : memref<128xi32, #tpu.memory_space<vmem>>) semaphore(%arg12 : memref<!tpu.dma_semaphore, #tpu.memory_space<semaphore_mem>>)
      %add3A_101 = arith.constant 256 : i32
      %add3A_102 = arith.addi %multiple_of3A_82, %add3A_101 : i32
      %dma_start3A_103 = arith.constant 256 : i32
      %dma_start3A_104 = arith.constant 0 : i32
      %dma_start3A_105 = tpu.memref_slice %arg7[%dma_start3A_103, %dma_start3A_104] : memref<384x128xf32, #tpu.memory_space<vmem>> -> memref<128x128xf32, #tpu.memory_space<vmem>>
      %dma_start3A_106 = tpu.memref_slice %arg6[%add3A_102] : memref<3200xi32, #tpu.memory_space<vmem>> -> memref<128xi32, #tpu.memory_space<vmem>>
      %dma_start3A_107 = arith.constant 0 : i32
      %dma_start3A_108 = arith.constant 0 : i32
      %dma_start3A_109 = tpu.memref_slice %arg5[%dma_start3A_107, %dma_start3A_108] : memref<100x128xf32, #tpu.memory_space<vmem_shared>> -> memref<100x128xf32, #tpu.memory_space<vmem_shared>>
      tpu.enqueue_indirect_dma source(%dma_start3A_109 : memref<100x128xf32, #tpu.memory_space<vmem_shared>>) target(%dma_start3A_105 : memref<128x128xf32, #tpu.memory_space<vmem>>) offsets(%dma_start3A_106 : memref<128xi32, #tpu.memory_space<vmem>>) semaphore(%arg12 : memref<!tpu.dma_semaphore, #tpu.memory_space<semaphore_mem>>)
      %gt3A_110 = arith.constant 0 : i32
      %gt3A_111 = arith.cmpi sgt, %add3A_73, %gt3A_110 : i32
      %convert_element_type3A_112 = arith.extui %gt3A_111 : i1 to i32
      %cond3A_113 = arith.constant 0 : i32
      %cond3A_114 = arith.cmpi ne, %convert_element_type3A_112, %cond3A_113 : i32
      scf.if %cond3A_114 {
        %dma_wait3A_168 = arith.constant 0 : i32
        %dma_wait3A_169 = arith.constant 0 : i32
        %dma_wait3A_170 = tpu.memref_slice %arg4[%dma_wait3A_168, %dma_wait3A_169] : memref<100000x128xf32, #tpu.memory_space<hbm>> -> memref<384x128xf32, #tpu.memory_space<hbm>>
        %dma_wait3A_171 = arith.constant 0 : i32
        %dma_wait3A_172 = arith.constant 0 : i32
        %dma_wait3A_173 = tpu.memref_slice %arg4[%dma_wait3A_171, %dma_wait3A_172] : memref<100000x128xf32, #tpu.memory_space<hbm>> -> memref<384x128xf32, #tpu.memory_space<hbm>>
        tpu.wait_dma2 semaphore(%arg13 : memref<!tpu.dma_semaphore, #tpu.memory_space<semaphore_mem>>) src(%dma_wait3A_173 : memref<384x128xf32, #tpu.memory_space<hbm>>) dst(%arg8 : memref<384x128xf32, #tpu.memory_space<vmem>>)
        %sub3A_174 = arith.constant 1 : i32
        %sub3A_175 = arith.subi %add3A_75, %sub3A_174 : i32
        %mul3A_176 = arith.constant 384 : i32
        %mul3A_177 = arith.muli %sub3A_175, %mul3A_176 : i32
        %add3A_178 = arith.addi %mul3A_2, %mul3A_177 : i32
        %multiple_of3A_179 = tpu.assume_multiple %add3A_178, 128 : i32
        %dma_start3A_180 = arith.constant 0 : i32
        %dma_start3A_181 = tpu.memref_slice %arg4[%multiple_of3A_179, %dma_start3A_180] : memref<100000x128xf32, #tpu.memory_space<hbm>> -> memref<384x128xf32, #tpu.memory_space<hbm>>
        %dma_start3A_182 = arith.constant 0 : i32
        %dma_start3A_183 = tpu.memref_slice %arg4[%multiple_of3A_179, %dma_start3A_182] : memref<100000x128xf32, #tpu.memory_space<hbm>> -> memref<384x128xf32, #tpu.memory_space<hbm>>
        tpu.enqueue_dma source(%arg8 : memref<384x128xf32, #tpu.memory_space<vmem>>) target(%dma_start3A_183 : memref<384x128xf32, #tpu.memory_space<hbm>>) target_semaphore(%arg15 : memref<!tpu.dma_semaphore, #tpu.memory_space<semaphore_mem>>)
      } else {
      }
      %add3A_115 = arith.constant 1 : i32
      %add3A_116 = arith.addi %add3A_73, %add3A_115 : i32
      %gt3A_117 = arith.constant 0 : i32
      %gt3A_118 = arith.cmpi sgt, %add3A_73, %gt3A_117 : i32
      %convert_element_type3A_119 = arith.extui %gt3A_118 : i1 to i32
      %cond3A_120 = arith.constant 0 : i32
      %cond3A_121 = arith.cmpi ne, %convert_element_type3A_119, %cond3A_120 : i32
      scf.if %cond3A_121 {
        %sub3A_168 = arith.constant 2 : i32
        %sub3A_169 = arith.subi %add3A_116, %sub3A_168 : i32
        %mul3A_170 = arith.constant 384 : i32
        %mul3A_171 = arith.muli %sub3A_169, %mul3A_170 : i32
        %add3A_172 = arith.addi %mul3A_2, %mul3A_171 : i32
        %multiple_of3A_173 = tpu.assume_multiple %add3A_172, 128 : i32
        %dma_wait3A_174 = arith.constant 0 : i32
        %dma_wait3A_175 = tpu.memref_slice %arg4[%multiple_of3A_173, %dma_wait3A_174] : memref<100000x128xf32, #tpu.memory_space<hbm>> -> memref<384x128xf32, #tpu.memory_space<hbm>>
        %dma_wait3A_176 = arith.constant 0 : i32
        %dma_wait3A_177 = tpu.memref_slice %arg4[%multiple_of3A_173, %dma_wait3A_176] : memref<100000x128xf32, #tpu.memory_space<hbm>> -> memref<384x128xf32, #tpu.memory_space<hbm>>
        tpu.wait_dma2 semaphore(%arg15 : memref<!tpu.dma_semaphore, #tpu.memory_space<semaphore_mem>>) src(%arg8 : memref<384x128xf32, #tpu.memory_space<vmem>>) dst(%dma_wait3A_177 : memref<384x128xf32, #tpu.memory_space<hbm>>)
      } else {
      }
      %mul3A_122 = arith.constant 384 : i32
      %mul3A_123 = arith.muli %add3A_116, %mul3A_122 : i32
      %multiple_of3A_124 = tpu.assume_multiple %mul3A_123, 128 : i32
      %add3A_125 = arith.constant 0 : i32
      %add3A_126 = arith.addi %multiple_of3A_124, %add3A_125 : i32
      %dma_start3A_127 = arith.constant 0 : i32
      %dma_start3A_128 = arith.constant 0 : i32
      %dma_start3A_129 = tpu.memref_slice %arg8[%dma_start3A_127, %dma_start3A_128] : memref<384x128xf32, #tpu.memory_space<vmem>> -> memref<128x128xf32, #tpu.memory_space<vmem>>
      %dma_start3A_130 = tpu.memref_slice %arg6[%add3A_126] : memref<3200xi32, #tpu.memory_space<vmem>> -> memref<128xi32, #tpu.memory_space<vmem>>
      %dma_start3A_131 = arith.constant 0 : i32
      %dma_start3A_132 = arith.constant 0 : i32
      %dma_start3A_133 = tpu.memref_slice %arg5[%dma_start3A_131, %dma_start3A_132] : memref<100x128xf32, #tpu.memory_space<vmem_shared>> -> memref<100x128xf32, #tpu.memory_space<vmem_shared>>
      tpu.enqueue_indirect_dma source(%dma_start3A_133 : memref<100x128xf32, #tpu.memory_space<vmem_shared>>) target(%dma_start3A_129 : memref<128x128xf32, #tpu.memory_space<vmem>>) offsets(%dma_start3A_130 : memref<128xi32, #tpu.memory_space<vmem>>) semaphore(%arg13 : memref<!tpu.dma_semaphore, #tpu.memory_space<semaphore_mem>>)
      %add3A_134 = arith.constant 128 : i32
      %add3A_135 = arith.addi %multiple_of3A_124, %add3A_134 : i32
      %dma_start3A_136 = arith.constant 128 : i32
      %dma_start3A_137 = arith.constant 0 : i32
      %dma_start3A_138 = tpu.memref_slice %arg8[%dma_start3A_136, %dma_start3A_137] : memref<384x128xf32, #tpu.memory_space<vmem>> -> memref<128x128xf32, #tpu.memory_space<vmem>>
      %dma_start3A_139 = tpu.memref_slice %arg6[%add3A_135] : memref<3200xi32, #tpu.memory_space<vmem>> -> memref<128xi32, #tpu.memory_space<vmem>>
      %dma_start3A_140 = arith.constant 0 : i32
      %dma_start3A_141 = arith.constant 0 : i32
      %dma_start3A_142 = tpu.memref_slice %arg5[%dma_start3A_140, %dma_start3A_141] : memref<100x128xf32, #tpu.memory_space<vmem_shared>> -> memref<100x128xf32, #tpu.memory_space<vmem_shared>>
      tpu.enqueue_indirect_dma source(%dma_start3A_142 : memref<100x128xf32, #tpu.memory_space<vmem_shared>>) target(%dma_start3A_138 : memref<128x128xf32, #tpu.memory_space<vmem>>) offsets(%dma_start3A_139 : memref<128xi32, #tpu.memory_space<vmem>>) semaphore(%arg13 : memref<!tpu.dma_semaphore, #tpu.memory_space<semaphore_mem>>)
      %add3A_143 = arith.constant 256 : i32
      %add3A_144 = arith.addi %multiple_of3A_124, %add3A_143 : i32
      %dma_start3A_145 = arith.constant 256 : i32
      %dma_start3A_146 = arith.constant 0 : i32
      %dma_start3A_147 = tpu.memref_slice %arg8[%dma_start3A_145, %dma_start3A_146] : memref<384x128xf32, #tpu.memory_space<vmem>> -> memref<128x128xf32, #tpu.memory_space<vmem>>
      %dma_start3A_148 = tpu.memref_slice %arg6[%add3A_144] : memref<3200xi32, #tpu.memory_space<vmem>> -> memref<128xi32, #tpu.memory_space<vmem>>
      %dma_start3A_149 = arith.constant 0 : i32
      %dma_start3A_150 = arith.constant 0 : i32
      %dma_start3A_151 = tpu.memref_slice %arg5[%dma_start3A_149, %dma_start3A_150] : memref<100x128xf32, #tpu.memory_space<vmem_shared>> -> memref<100x128xf32, #tpu.memory_space<vmem_shared>>
      tpu.enqueue_indirect_dma source(%dma_start3A_151 : memref<100x128xf32, #tpu.memory_space<vmem_shared>>) target(%dma_start3A_147 : memref<128x128xf32, #tpu.memory_space<vmem>>) offsets(%dma_start3A_148 : memref<128xi32, #tpu.memory_space<vmem>>) semaphore(%arg13 : memref<!tpu.dma_semaphore, #tpu.memory_space<semaphore_mem>>)
      %dma_wait3A_152 = arith.constant 0 : i32
      %dma_wait3A_153 = arith.constant 0 : i32
      %dma_wait3A_154 = tpu.memref_slice %arg4[%dma_wait3A_152, %dma_wait3A_153] : memref<100000x128xf32, #tpu.memory_space<hbm>> -> memref<384x128xf32, #tpu.memory_space<hbm>>
      %dma_wait3A_155 = arith.constant 0 : i32
      %dma_wait3A_156 = arith.constant 0 : i32
      %dma_wait3A_157 = tpu.memref_slice %arg4[%dma_wait3A_155, %dma_wait3A_156] : memref<100000x128xf32, #tpu.memory_space<hbm>> -> memref<384x128xf32, #tpu.memory_space<hbm>>
      tpu.wait_dma2 semaphore(%arg12 : memref<!tpu.dma_semaphore, #tpu.memory_space<semaphore_mem>>) src(%dma_wait3A_157 : memref<384x128xf32, #tpu.memory_space<hbm>>) dst(%arg7 : memref<384x128xf32, #tpu.memory_space<vmem>>)
      %sub3A_158 = arith.constant 1 : i32
      %sub3A_159 = arith.subi %add3A_116, %sub3A_158 : i32
      %mul3A_160 = arith.constant 384 : i32
      %mul3A_161 = arith.muli %sub3A_159, %mul3A_160 : i32
      %add3A_162 = arith.addi %mul3A_2, %mul3A_161 : i32
      %multiple_of3A_163 = tpu.assume_multiple %add3A_162, 128 : i32
      %dma_start3A_164 = arith.constant 0 : i32
      %dma_start3A_165 = tpu.memref_slice %arg4[%multiple_of3A_163, %dma_start3A_164] : memref<100000x128xf32, #tpu.memory_space<hbm>> -> memref<384x128xf32, #tpu.memory_space<hbm>>
      %dma_start3A_166 = arith.constant 0 : i32
      %dma_start3A_167 = tpu.memref_slice %arg4[%multiple_of3A_163, %dma_start3A_166] : memref<100000x128xf32, #tpu.memory_space<hbm>> -> memref<384x128xf32, #tpu.memory_space<hbm>>
      tpu.enqueue_dma source(%arg7 : memref<384x128xf32, #tpu.memory_space<vmem>>) target(%dma_start3A_167 : memref<384x128xf32, #tpu.memory_space<hbm>>) target_semaphore(%arg14 : memref<!tpu.dma_semaphore, #tpu.memory_space<semaphore_mem>>)
    }
    %dma_wait3A = arith.constant 0 : i32
    %dma_wait3A_33 = arith.constant 0 : i32
    %dma_wait3A_34 = tpu.memref_slice %arg4[%dma_wait3A, %dma_wait3A_33] : memref<100000x128xf32, #tpu.memory_space<hbm>> -> memref<384x128xf32, #tpu.memory_space<hbm>>
    %dma_wait3A_35 = arith.constant 0 : i32
    %dma_wait3A_36 = arith.constant 0 : i32
    %dma_wait3A_37 = tpu.memref_slice %arg4[%dma_wait3A_35, %dma_wait3A_36] : memref<100000x128xf32, #tpu.memory_space<hbm>> -> memref<384x128xf32, #tpu.memory_space<hbm>>
    tpu.wait_dma2 semaphore(%arg13 : memref<!tpu.dma_semaphore, #tpu.memory_space<semaphore_mem>>) src(%dma_wait3A_37 : memref<384x128xf32, #tpu.memory_space<hbm>>) dst(%arg8 : memref<384x128xf32, #tpu.memory_space<vmem>>)
    %sub3A_38 = arith.constant 1 : i32
    %sub3A_39 = arith.subi %select_n3A, %sub3A_38 : i32
    %mul3A_40 = arith.constant 384 : i32
    %mul3A_41 = arith.muli %sub3A_39, %mul3A_40 : i32
    %add3A_42 = arith.addi %mul3A_2, %mul3A_41 : i32
    %multiple_of3A = tpu.assume_multiple %add3A_42, 128 : i32
    %dma_start3A = arith.constant 0 : i32
    %dma_start3A_43 = tpu.memref_slice %arg4[%multiple_of3A, %dma_start3A] : memref<100000x128xf32, #tpu.memory_space<hbm>> -> memref<384x128xf32, #tpu.memory_space<hbm>>
    %dma_start3A_44 = arith.constant 0 : i32
    %dma_start3A_45 = tpu.memref_slice %arg4[%multiple_of3A, %dma_start3A_44] : memref<100000x128xf32, #tpu.memory_space<hbm>> -> memref<384x128xf32, #tpu.memory_space<hbm>>
    tpu.enqueue_dma source(%arg8 : memref<384x128xf32, #tpu.memory_space<vmem>>) target(%dma_start3A_45 : memref<384x128xf32, #tpu.memory_space<hbm>>) target_semaphore(%arg15 : memref<!tpu.dma_semaphore, #tpu.memory_space<semaphore_mem>>)
    %lt3A_46 = arith.constant 31 : i32
    %lt3A_47 = arith.cmpi slt, %add3A, %lt3A_46 : i32
    %convert_element_type3A_48 = arith.extui %lt3A_47 : i1 to i32
    %cond3A_49 = arith.constant 0 : i32
    %cond3A_50 = arith.cmpi ne, %convert_element_type3A_48, %cond3A_49 : i32
    scf.if %cond3A_50 {
      %add3A_71 = arith.constant 2304 : i32
      %add3A_72 = arith.addi %mul3A_2, %add3A_71 : i32
      %multiple_of3A_73 = tpu.assume_multiple %add3A_72, 128 : i32
      %dma_wait3A_74 = arith.constant 0 : i32
      %dma_wait3A_75 = tpu.memref_slice %arg4[%multiple_of3A_73, %dma_wait3A_74] : memref<100000x128xf32, #tpu.memory_space<hbm>> -> memref<384x128xf32, #tpu.memory_space<hbm>>
      %dma_wait3A_76 = arith.constant 0 : i32
      %dma_wait3A_77 = tpu.memref_slice %arg4[%multiple_of3A_73, %dma_wait3A_76] : memref<100000x128xf32, #tpu.memory_space<hbm>> -> memref<384x128xf32, #tpu.memory_space<hbm>>
      tpu.wait_dma2 semaphore(%arg14 : memref<!tpu.dma_semaphore, #tpu.memory_space<semaphore_mem>>) src(%arg7 : memref<384x128xf32, #tpu.memory_space<vmem>>) dst(%dma_wait3A_77 : memref<384x128xf32, #tpu.memory_space<hbm>>)
      %dma_start3A_78 = arith.constant 0 : i32
      %dma_start3A_79 = arith.constant 0 : i32
      %dma_start3A_80 = tpu.memref_slice %arg7[%dma_start3A_78, %dma_start3A_79] : memref<384x128xf32, #tpu.memory_space<vmem>> -> memref<128x128xf32, #tpu.memory_space<vmem>>
      %dma_start3A_81 = arith.constant 3072 : i32
      %dma_start3A_82 = tpu.memref_slice %arg6[%dma_start3A_81] : memref<3200xi32, #tpu.memory_space<vmem>> -> memref<128xi32, #tpu.memory_space<vmem>>
      %dma_start3A_83 = arith.constant 0 : i32
      %dma_start3A_84 = arith.constant 0 : i32
      %dma_start3A_85 = tpu.memref_slice %arg5[%dma_start3A_83, %dma_start3A_84] : memref<100x128xf32, #tpu.memory_space<vmem_shared>> -> memref<100x128xf32, #tpu.memory_space<vmem_shared>>
      tpu.enqueue_indirect_dma source(%dma_start3A_85 : memref<100x128xf32, #tpu.memory_space<vmem_shared>>) target(%dma_start3A_80 : memref<128x128xf32, #tpu.memory_space<vmem>>) offsets(%dma_start3A_82 : memref<128xi32, #tpu.memory_space<vmem>>) semaphore(%arg12 : memref<!tpu.dma_semaphore, #tpu.memory_space<semaphore_mem>>)
      %dma_wait3A_86 = arith.constant 0 : i32
      %dma_wait3A_87 = arith.constant 0 : i32
      %dma_wait3A_88 = tpu.memref_slice %arg7[%dma_wait3A_86, %dma_wait3A_87] : memref<384x128xf32, #tpu.memory_space<vmem>> -> memref<128x128xf32, #tpu.memory_space<vmem>>
      %dma_wait3A_89 = arith.constant 3072 : i32
      %dma_wait3A_90 = tpu.memref_slice %arg6[%dma_wait3A_89] : memref<3200xi32, #tpu.memory_space<vmem>> -> memref<128xi32, #tpu.memory_space<vmem>>
      %dma_wait3A_91 = arith.constant 0 : i32
      %dma_wait3A_92 = arith.constant 0 : i32
      %dma_wait3A_93 = tpu.memref_slice %arg5[%dma_wait3A_91, %dma_wait3A_92] : memref<100x128xf32, #tpu.memory_space<vmem_shared>> -> memref<100x128xf32, #tpu.memory_space<vmem_shared>>
      tpu.wait_indirect_dma semaphore(%arg12 : memref<!tpu.dma_semaphore, #tpu.memory_space<semaphore_mem>>) src(%dma_wait3A_93 : memref<100x128xf32, #tpu.memory_space<vmem_shared>>) dst(%dma_wait3A_88 : memref<128x128xf32, #tpu.memory_space<vmem>>)
      %add3A_94 = arith.constant 3072 : i32
      %add3A_95 = arith.addi %mul3A_2, %add3A_94 : i32
      %dma_start3A_96 = arith.constant 0 : i32
      %dma_start3A_97 = arith.constant 0 : i32
      %dma_start3A_98 = tpu.memref_slice %arg7[%dma_start3A_96, %dma_start3A_97] : memref<384x128xf32, #tpu.memory_space<vmem>> -> memref<128x128xf32, #tpu.memory_space<vmem>>
      %dma_start3A_99 = arith.constant 0 : i32
      %dma_start3A_100 = tpu.memref_slice %arg4[%add3A_95, %dma_start3A_99] : memref<100000x128xf32, #tpu.memory_space<hbm>> -> memref<128x128xf32, #tpu.memory_space<hbm>>
      %dma_start3A_101 = arith.constant 0 : i32
      %dma_start3A_102 = tpu.memref_slice %arg4[%add3A_95, %dma_start3A_101] : memref<100000x128xf32, #tpu.memory_space<hbm>> -> memref<128x128xf32, #tpu.memory_space<hbm>>
      %dma_start3A_103 = arith.constant 0 : i32
      %dma_start3A_104 = arith.constant 0 : i32
      %dma_start3A_105 = tpu.memref_slice %arg7[%dma_start3A_103, %dma_start3A_104] : memref<384x128xf32, #tpu.memory_space<vmem>> -> memref<128x128xf32, #tpu.memory_space<vmem>>
      tpu.enqueue_dma source(%dma_start3A_105 : memref<128x128xf32, #tpu.memory_space<vmem>>) target(%dma_start3A_102 : memref<128x128xf32, #tpu.memory_space<hbm>>) target_semaphore(%arg14 : memref<!tpu.dma_semaphore, #tpu.memory_space<semaphore_mem>>)
      %dma_wait3A_106 = arith.constant 0 : i32
      %dma_wait3A_107 = arith.constant 0 : i32
      %dma_wait3A_108 = tpu.memref_slice %arg7[%dma_wait3A_106, %dma_wait3A_107] : memref<384x128xf32, #tpu.memory_space<vmem>> -> memref<128x128xf32, #tpu.memory_space<vmem>>
      %dma_wait3A_109 = arith.constant 0 : i32
      %dma_wait3A_110 = tpu.memref_slice %arg4[%add3A_95, %dma_wait3A_109] : memref<100000x128xf32, #tpu.memory_space<hbm>> -> memref<128x128xf32, #tpu.memory_space<hbm>>
      %dma_wait3A_111 = arith.constant 0 : i32
      %dma_wait3A_112 = tpu.memref_slice %arg4[%add3A_95, %dma_wait3A_111] : memref<100000x128xf32, #tpu.memory_space<hbm>> -> memref<128x128xf32, #tpu.memory_space<hbm>>
      %dma_wait3A_113 = arith.constant 0 : i32
      %dma_wait3A_114 = arith.constant 0 : i32
      %dma_wait3A_115 = tpu.memref_slice %arg7[%dma_wait3A_113, %dma_wait3A_114] : memref<384x128xf32, #tpu.memory_space<vmem>> -> memref<128x128xf32, #tpu.memory_space<vmem>>
      tpu.wait_dma2 semaphore(%arg14 : memref<!tpu.dma_semaphore, #tpu.memory_space<semaphore_mem>>) src(%dma_wait3A_115 : memref<128x128xf32, #tpu.memory_space<vmem>>) dst(%dma_wait3A_112 : memref<128x128xf32, #tpu.memory_space<hbm>>)
    } else {
    }
    %eq3A_51 = arith.constant 31 : i32
    %eq3A_52 = arith.cmpi eq, %add3A, %eq3A_51 : i32
    %convert_element_type3A_53 = arith.extui %eq3A_52 : i1 to i32
    %cond3A_54 = arith.constant 0 : i32
    %cond3A_55 = arith.cmpi ne, %convert_element_type3A_53, %cond3A_54 : i32
    scf.if %cond3A_55 {
      %add3A_71 = arith.constant 0 : i32
      %add3A_72 = arith.addi %mul3A_2, %add3A_71 : i32
      %multiple_of3A_73 = tpu.assume_multiple %add3A_72, 128 : i32
      %dma_wait3A_74 = arith.constant 0 : i32
      %dma_wait3A_75 = tpu.memref_slice %arg4[%multiple_of3A_73, %dma_wait3A_74] : memref<100000x128xf32, #tpu.memory_space<hbm>> -> memref<384x128xf32, #tpu.memory_space<hbm>>
      %dma_wait3A_76 = arith.constant 0 : i32
      %dma_wait3A_77 = tpu.memref_slice %arg4[%multiple_of3A_73, %dma_wait3A_76] : memref<100000x128xf32, #tpu.memory_space<hbm>> -> memref<384x128xf32, #tpu.memory_space<hbm>>
      tpu.wait_dma2 semaphore(%arg14 : memref<!tpu.dma_semaphore, #tpu.memory_space<semaphore_mem>>) src(%arg7 : memref<384x128xf32, #tpu.memory_space<vmem>>) dst(%dma_wait3A_77 : memref<384x128xf32, #tpu.memory_space<hbm>>)
    } else {
    }
    %eq3A_56 = arith.constant 31 : i32
    %eq3A_57 = arith.cmpi eq, %add3A, %eq3A_56 : i32
    %convert_element_type3A_58 = arith.extui %eq3A_57 : i1 to i32
    %cond3A_59 = arith.constant 0 : i32
    %cond3A_60 = arith.cmpi ne, %convert_element_type3A_58, %cond3A_59 : i32
    scf.if %cond3A_60 {
      "tpu.region"() ({
        %run_scoped3A = tpu.sem_alloc : memref<!tpu.dma_semaphore, #tpu.memory_space<semaphore_mem>>
        %dma_start3A_77 = arith.constant 99968 : i32
        %dma_start3A_78 = tpu.memref_slice %arg3[%dma_start3A_77] : memref<100000xi32, #tpu.memory_space<hbm>> -> memref<32xi32, #tpu.memory_space<hbm>>
        %dma_start3A_79 = arith.constant 99968 : i32
        %dma_start3A_80 = tpu.memref_slice %arg3[%dma_start3A_79] : memref<100000xi32, #tpu.memory_space<hbm>> -> memref<32xi32, #tpu.memory_space<hbm>>
        tpu.enqueue_dma source(%dma_start3A_80 : memref<32xi32, #tpu.memory_space<hbm>>) target(%arg9 : memref<32xi32, #tpu.memory_space<vmem>>) target_semaphore(%run_scoped3A : memref<!tpu.dma_semaphore, #tpu.memory_space<semaphore_mem>>)
        %dma_wait3A_81 = arith.constant 99968 : i32
        %dma_wait3A_82 = tpu.memref_slice %arg3[%dma_wait3A_81] : memref<100000xi32, #tpu.memory_space<hbm>> -> memref<32xi32, #tpu.memory_space<hbm>>
        %dma_wait3A_83 = arith.constant 99968 : i32
        %dma_wait3A_84 = tpu.memref_slice %arg3[%dma_wait3A_83] : memref<100000xi32, #tpu.memory_space<hbm>> -> memref<32xi32, #tpu.memory_space<hbm>>
        tpu.wait_dma2 semaphore(%run_scoped3A : memref<!tpu.dma_semaphore, #tpu.memory_space<semaphore_mem>>) src(%dma_wait3A_84 : memref<32xi32, #tpu.memory_space<hbm>>) dst(%arg9 : memref<32xi32, #tpu.memory_space<vmem>>)
        tpu.yield
      }) : () -> ()
      %dma_start3A_71 = arith.constant 0 : i32
      %dma_start3A_72 = arith.constant 0 : i32
      %dma_start3A_73 = tpu.memref_slice %arg5[%dma_start3A_71, %dma_start3A_72] : memref<100x128xf32, #tpu.memory_space<vmem_shared>> -> memref<100x128xf32, #tpu.memory_space<vmem_shared>>
      tpu.enqueue_indirect_dma source(%dma_start3A_73 : memref<100x128xf32, #tpu.memory_space<vmem_shared>>) target(%arg10 : memref<32x128xf32, #tpu.memory_space<vmem>>) offsets(%arg9 : memref<32xi32, #tpu.memory_space<vmem>>) semaphore(%arg16 : memref<!tpu.dma_semaphore, #tpu.memory_space<semaphore_mem>>)
      %dma_wait3A_74 = arith.constant 0 : i32
      %dma_wait3A_75 = arith.constant 0 : i32
      %dma_wait3A_76 = tpu.memref_slice %arg5[%dma_wait3A_74, %dma_wait3A_75] : memref<100x128xf32, #tpu.memory_space<vmem_shared>> -> memref<100x128xf32, #tpu.memory_space<vmem_shared>>
      tpu.wait_indirect_dma semaphore(%arg16 : memref<!tpu.dma_semaphore, #tpu.memory_space<semaphore_mem>>) src(%dma_wait3A_76 : memref<100x128xf32, #tpu.memory_space<vmem_shared>>) dst(%arg10 : memref<32x128xf32, #tpu.memory_space<vmem>>)
      "tpu.region"() ({
        %run_scoped3A = tpu.sem_alloc : memref<!tpu.dma_semaphore, #tpu.memory_space<semaphore_mem>>
        %dma_start3A_77 = arith.constant 99968 : i32
        %dma_start3A_78 = arith.constant 0 : i32
        %dma_start3A_79 = tpu.memref_slice %arg4[%dma_start3A_77, %dma_start3A_78] : memref<100000x128xf32, #tpu.memory_space<hbm>> -> memref<32x128xf32, #tpu.memory_space<hbm>>
        %dma_start3A_80 = arith.constant 99968 : i32
        %dma_start3A_81 = arith.constant 0 : i32
        %dma_start3A_82 = tpu.memref_slice %arg4[%dma_start3A_80, %dma_start3A_81] : memref<100000x128xf32, #tpu.memory_space<hbm>> -> memref<32x128xf32, #tpu.memory_space<hbm>>
        tpu.enqueue_dma source(%arg10 : memref<32x128xf32, #tpu.memory_space<vmem>>) target(%dma_start3A_82 : memref<32x128xf32, #tpu.memory_space<hbm>>) target_semaphore(%run_scoped3A : memref<!tpu.dma_semaphore, #tpu.memory_space<semaphore_mem>>)
        %dma_wait3A_83 = arith.constant 99968 : i32
        %dma_wait3A_84 = arith.constant 0 : i32
        %dma_wait3A_85 = tpu.memref_slice %arg4[%dma_wait3A_83, %dma_wait3A_84] : memref<100000x128xf32, #tpu.memory_space<hbm>> -> memref<32x128xf32, #tpu.memory_space<hbm>>
        %dma_wait3A_86 = arith.constant 99968 : i32
        %dma_wait3A_87 = arith.constant 0 : i32
        %dma_wait3A_88 = tpu.memref_slice %arg4[%dma_wait3A_86, %dma_wait3A_87] : memref<100000x128xf32, #tpu.memory_space<hbm>> -> memref<32x128xf32, #tpu.memory_space<hbm>>
        tpu.wait_dma2 semaphore(%run_scoped3A : memref<!tpu.dma_semaphore, #tpu.memory_space<semaphore_mem>>) src(%arg10 : memref<32x128xf32, #tpu.memory_space<vmem>>) dst(%dma_wait3A_88 : memref<32x128xf32, #tpu.memory_space<hbm>>)
        tpu.yield
      }) : () -> ()
    } else {
    }
    %sub3A_61 = arith.constant 1 : i32
    %sub3A_62 = arith.subi %select_n3A, %sub3A_61 : i32
    %mul3A_63 = arith.constant 384 : i32
    %mul3A_64 = arith.muli %sub3A_62, %mul3A_63 : i32
    %add3A_65 = arith.addi %mul3A_2, %mul3A_64 : i32
    %multiple_of3A_66 = tpu.assume_multiple %add3A_65, 128 : i32
    %dma_wait3A_67 = arith.constant 0 : i32
    %dma_wait3A_68 = tpu.memref_slice %arg4[%multiple_of3A_66, %dma_wait3A_67] : memref<100000x128xf32, #tpu.memory_space<hbm>> -> memref<384x128xf32, #tpu.memory_space<hbm>>
    %dma_wait3A_69 = arith.constant 0 : i32
    %dma_wait3A_70 = tpu.memref_slice %arg4[%multiple_of3A_66, %dma_wait3A_69] : memref<100000x128xf32, #tpu.memory_space<hbm>> -> memref<384x128xf32, #tpu.memory_space<hbm>>
    tpu.wait_dma2 semaphore(%arg15 : memref<!tpu.dma_semaphore, #tpu.memory_space<semaphore_mem>>) src(%arg8 : memref<384x128xf32, #tpu.memory_space<vmem>>) dst(%dma_wait3A_70 : memref<384x128xf32, #tpu.memory_space<hbm>>)
    return
  }
}

</mosaic_0001>

<sc_bundles>
// kernel: kernel.3.cloned.1.call-start
scs
__scs_entry_jumppad:
0x0: {  	(pc) =	sbr.rel $0x88, $3  }
0x1: {  	(tag) =	ssettag $0x0;
	lr =	simm.s32 $0x1  }
0x2: {  	[smem:$0x3F9F] =	sst lr;
	_ =	strace $0xD0000000  }
0x3: {  	_ = 	snop  }
0x4: {  	_ = 	snop  }
0x5: {  	_ = 	snop  }
0x6: {  	_ = 	snop  }
0x7: {  	_ = 	snop  }
__scs_overlays_trampoline_lowered:
0x8: {  	[smem:$0x3FAE] =	sst s0  }
0x9: {  	[smem:$0x3FAF] =	sst s1  }
0xa: {  	[smem:$0x3FB0] =	sst s2  }
0xb: {  	[smem:$0x3FB1] =	sst s3  }
0xc: {  	[smem:$0x3FB2] =	sst s4  }
0xd: {  	[smem:$0x3FB3] =	sst s5  }
0xe: {  	[smem:$0x3FB4] =	sst s6  }
0xf: {  	[smem:$0x3FB5] =	sst s7  }
0x10: {  	[smem:$0x3FB6] =	sst s8  }
0x11: {  	[smem:$0x3FB7] =	sst s9;
	s0 =	simm.s32 @!p0 $0x0  }
0x12: {  	s1 =	sld [smem:$0x3F9D];
	s0 =	simm.s32 @p0 $0x1  }
0x13: {  	[smem:$0x3FB8] =	sst s0;
	s0 =	simm.s32 @!p1 $0x0  }
0x14: {  	s2 =	sld [smem:$0x3F9C];
	s0 =	simm.s32 @p1 $0x1  }
0x15: {  	[smem:$0x3FB9] =	sst s0;
	s0 =	simm.s32 @!p2 $0x0  }
0x16: {  	s3 =	sld [smem:$0x3FDB];
	s0 =	simm.s32 @p2 $0x1  }
0x17: {  	s4 =	simm.s32 $0x1BF5;
	[smem:$0x3FBB] =	sst s0  }
0x18: {  	s0 =	sld [smem:$0x3F9E];
	_ =	swait.ge [sflag:s4], $0x0  }
0x19: {  	s7 =	sld [smem:$0x3F9F]  }
0x1a: {  	s8 =	sadd.s32 $0xFFFFE003, lr  }
0x1b: {  	s9 =	sadd.s32 $0xFFFFFEF7, lr;
	s5 =	simm.s32 $0xFFFFFFFF;
	p2 =	slt.u32 s8, $0xFFFFF086  }
0x1c: {  	p1 =	slt.u32 s9, $0xF7A;
	s5 =	simm.s32 @!p2 $0x0  }
0x1d: {  	s5 =	simm.s32 @p1 $0x1;
	p0 =	seq.s32 s7, s2  }
0x1e: {  	s7 =	smul.u32 @!p0 $0xF7A, s2;
	p2 =	seq.s32 @!p0 s5, $0x0  }
0x1f: {  	s9 =	smul.u32 $0xF7A, s1;
	s8 =	simm.s32 @!p0 $0x1BF5;
	p2 =	por !p2, p0  }
0x20: {  	[sflag:s8] =	ssyncset.s32 @!p0 $0xFFFFF086;
	s6 =	sadd.s32 @!p0 s3, s7;
	s7 =	simm.s32 @!p0 $0x108  }
0x21: {  	s3 =	sadd.s32 s3, s9;
	s6 =	sadd.s32 @!p0 $0x88, s6;
	s7 =	simm.s32 @p2 $0x1082  }
0x22: {  	[simem:s7], [sflag:s8] =	dma.local @!p0 [hbm:s6], $0xF7A  }
0x23: {  	s9 =	sor.u32 $0xD0000000, s2;
	s6 =	simm.s32 $0x108;
	_ =	swait.ge @!p0 [sflag:s8], $0x0  }
0x24: {  	s3 =	sadd.s32 $0x88, s3;
	s6 =	simm.s32 @!p1 $0x1082;
	[sflag:s4] =	ssyncset.s32 $0xFFFFF086  }
0x25: {  	[simem:s6], [sflag:s4] =	dma.local [hbm:s3], $0xF7A  }
0x26: {  	[smem:$0x3F9F] =	sst s1;
	(tag) =	ssettag s2;
	_ =	strace s9  }
0x27: {  	s1 =	sld [smem:$0x3FAF]  }
0x28: {  	s2 =	sld [smem:$0x3FB0]  }
0x29: {  	s4 =	sld [smem:$0x3FB2]  }
0x2a: {  	p0 =	seq.s32 s5, $0x0;
	s5 =	sld [smem:$0x3FB3]  }
0x2b: {  	s6 =	sld [smem:$0x3FB4]  }
0x2c: {  	s7 =	sld [smem:$0x3FB5]  }
0x2d: {  	s3 =	simm.s32 $0x108;
	s8 =	sld [smem:$0x3FB6]  }
0x2e: {  	s3 =	simm.s32 @!p0 $0x1082;
	s9 =	sld [smem:$0x3FB7]  }
0x2f: {  	lr =	sadd.s32 s0, s3;
	s0 =	sld [smem:$0x3FAE]  }
0x30: {  	s3 =	sld [smem:$0x3FB1]  }
0x31: {  	[smem:$0x3FBA] =	sst s10  }
0x32: {  	s10 =	sld [smem:$0x3FB8];
	_ =	sdelay $0x3  }
0x33: {  	p0 =	seq.s32 s10, $0x1;
	s10 =	sld [smem:$0x3FBA];
	_ =	sdelay $0x3  }
0x34: {  	[smem:$0x3FBA] =	sst s10  }
0x35: {  	s10 =	sld [smem:$0x3FB9];
	_ =	sdelay $0x3  }
0x36: {  	p1 =	seq.s32 s10, $0x1;
	s10 =	sld [smem:$0x3FBA];
	_ =	sdelay $0x3  }
0x37: {  	[smem:$0x3FBA] =	sst s10  }
0x38: {  	s10 =	sld [smem:$0x3FBB]  }
0x39: {  	_ = 	snop;
	(pc) =	sbr.ind lr, $3  }
0x3a: {  	_ = 	snop  }
0x3b: {  	_ = 	snop  }
0x3c: {  	p2 =	seq.s32 s10, $0x1;
	s10 =	sld [smem:$0x3FBA]  }
0x3d: {  	_ =	shalt  }
0x3e: {  	_ =	shalt  }
0x3f: {  	_ =	shalt  }
0x40: {  	_ =	shalt  }
0x41: {  	_ =	shalt  }
0x42: {  	_ =	shalt  }
0x43: {  	_ =	shalt  }
0x44: {  	_ =	shalt  }
0x45: {  	_ =	shalt  }
0x46: {  	_ =	shalt  }
0x47: {  	_ =	shalt  }
0x48: {  	_ =	shalt  }
0x49: {  	_ =	shalt  }
0x4a: {  	_ =	shalt  }
0x4b: {  	_ =	shalt  }
0x4c: {  	_ =	shalt  }
0x4d: {  	_ =	shalt  }
0x4e: {  	_ =	shalt  }
0x4f: {  	_ =	shalt  }
0x50: {  	_ =	shalt  }
0x51: {  	_ =	shalt  }
0x52: {  	_ =	shalt  }
0x53: {  	_ =	shalt  }
0x54: {  	_ =	shalt  }
0x55: {  	_ =	shalt  }
0x56: {  	_ =	shalt  }
0x57: {  	_ =	shalt  }
0x58: {  	_ =	shalt  }
0x59: {  	_ =	shalt  }
0x5a: {  	_ =	shalt  }
0x5b: {  	_ =	shalt  }
0x5c: {  	_ =	shalt  }
0x5d: {  	_ =	shalt  }
0x5e: {  	_ =	shalt  }
0x5f: {  	_ =	shalt  }
0x60: {  	_ =	shalt  }
0x61: {  	_ =	shalt  }
0x62: {  	_ =	shalt  }
0x63: {  	_ =	shalt  }
0x64: {  	_ =	shalt  }
0x65: {  	_ =	shalt  }
0x66: {  	_ =	shalt  }
0x67: {  	_ =	shalt  }
0x68: {  	_ =	shalt  }
0x69: {  	_ =	shalt  }
0x6a: {  	_ =	shalt  }
0x6b: {  	_ =	shalt  }
0x6c: {  	_ =	shalt  }
0x6d: {  	_ =	shalt  }
0x6e: {  	_ =	shalt  }
0x6f: {  	_ =	shalt  }
0x70: {  	_ =	shalt  }
0x71: {  	_ =	shalt  }
0x72: {  	_ =	shalt  }
0x73: {  	_ =	shalt  }
0x74: {  	_ =	shalt  }
0x75: {  	_ =	shalt  }
0x76: {  	_ =	shalt  }
0x77: {  	_ =	shalt  }
0x78: {  	_ =	shalt  }
0x79: {  	_ =	shalt  }
0x7a: {  	_ =	shalt  }
0x7b: {  	_ =	shalt  }
0x7c: {  	_ =	shalt  }
0x7d: {  	_ =	shalt  }
0x7e: {  	_ =	shalt  }
0x7f: {  	_ =	shalt  }
0x80: {  	_ =	shalt  }
0x81: {  	_ =	shalt  }
0x82: {  	_ =	shalt  }
0x83: {  	_ =	shalt  }
0x84: {  	_ =	shalt  }
0x85: {  	_ =	shalt  }
0x86: {  	_ =	shalt  }
0x87: {  	_ =	shalt  }
.Lfunc_end0:
.L_simem_size_0:
called_computation_lowered:
.L_overlay_start_0:
0x88: {  	s2 =	sld [smem:$0x3FD9]  }
0x89: {  	s3 =	sld [smem:$0x3FFE];
	_ =	sdelay $0x1  }
0x8a: {  	s1 =	srdreg.scid  }
0x8b: {  	s0 =	sand.u32 $0x1, s1  }
0x8c: {  	s18 =	sshll.u32 s0, $0xA;
	s2 =	sadd.s32 s3, s2  }
0x8d: {  	s2 =	sadd.s32 s2, s18  }
0x8e: {  	[smem:$0x3FC6] =	sst s2  }
0x8f: {  	_ = 	snop  }
0x90: {  	s2 =	sld [smem:$0x3FC9]  }
0x91: {  	s19 =	sld [smem:$0x3FC8]  }
0x92: {  	s4 =	sld [smem:$0x3FD0];
	(tm) =	ssettm $0x1  }
0x93: {  	s5 =	sld [smem:$0x3FFB];
	_ =	sdelay $0x3  }
0x94: {  	_ =	strace s5  }
0x95: {  	s5 =	sld [smem:$0x3FFC];
	_ =	sdelay $0x3  }
0x96: {  	_ =	strace s5  }
0x97: {  	s5 =	sld [smem:$0x3FFD];
	_ =	sdelay $0x3  }
0x98: {  	_ =	strace s5  }
0x99: {  	_ =	strace $0x8FFFFFFF  }
0x9a: {  	s20 =	sld [smem:$0x3FDB];
	_ =	sdelay $0x1  }
0x9b: {  	s6 =	simm.s32 $_scs_section_size  }
0x9c: {  	s7 =	simm.s32 $_size__tile_overlayer_lowered;
	s8 =	simm.s32 $_tile_overlayer_lowered  }
0x9d: {  	s23 =	simm.s32 $0x1BFF;
	s22 =	sshll.u32 s8, $0x1;
	s5 =	sadd.s32 s6, s20  }
0x9e: {  	s9 =	simm.s32 $0x0;
	s21 =	sshll.u32 s7, $0x1;
	s7 =	sadd.s32 s22, s5  }
0x9f: {  	[timem:s9], [sflag:s23] =	dma.local [hbm:s7], s21  }
0xa0: {  	_ =	swait.ge [sflag:s23], s21  }
0xa1: {  	s6 =	ssub.s32 $0x0, s21;
	[sflag:s23] =	ssyncset.done $0x0  }
0xa2: {  	[sflag:s23] =	ssyncadd.s32 s6;
	_ =	sdelay $0x1  }
0xa3: {  	s24 =	simm.s32 $0x1B8B  }
0xa4: {  	_ =	swait.ge [sflag:s24], $0x1  }
0xa5: {  	[sflag:s24] =	ssyncset.done $0x0  }
0xa6: {  	s25 =	simm.s32 $0x1B8E;
	[sflag:s24] =	ssyncadd.s32 $0xFFFFFFFF  }
0xa7: {  	s26 =	simm.s32 $execute0_lowered;
	[smem:$0x3FD2] =	sst s25  }
0xa8: {  	s6 =	sshll.u32 s26, $0x1;
	_ =	strace $0x80000046;
	[dreg:$0x1] =	wrdreg $0xFFFFFFFF  }
0xa9: {  	s28 =	simm.s32 $_size_execute0_lowered;
	s5 =	sadd.s32 s5, s6;
	[dreg:$0x0] =	wrdreg $0x0  }
0xaa: {  	s6 =	sshll.u32 s28, $0x1;
	[dreg:$0x2] =	wrdreg s5  }
0xab: {  	[dreg:$0x3] =	wrdreg s6  }
0xac: {  	[dreg:$0x4] =	wrdreg $0xC0  }
0xad: {  	_ =	task [dreg:s9], $0x5FFFF  }
0xae: {  	[dreg:$0x1] =	wrdreg $0xFFFFFFFF  }
0xaf: {  	[dreg:$0x0] =	wrdreg $0x60  }
0xb0: {  	[dreg:$0x2] =	wrdreg s19  }
0xb1: {  	[dreg:$0x3] =	wrdreg s2  }
0xb2: {  	[dreg:$0x4] =	wrdreg s4  }
0xb3: {  	[dreg:$0x5] =	wrdreg $0x0  }
0xb4: {  	[dreg:$0x6] =	wrdreg $0x9  }
0xb5: {  	_ =	task.clear_ibuf [dreg:s9], $0x7FFFF;
	_ =	strace $0x90000046  }
0xb6: {  	s29 =	simm.s32 $0x9;
	_ =	strace $0x80000048  }
0xb7: {  	_ =	swait.ge [sflag:s29], $0x1  }
0xb8: {  	[sflag:s29] =	ssyncadd.s32 $0xFFFFFFFF  }
0xb9: {  	_ =	strace $0x90000048  }
0xba: {  	_ =	sfence  }
0xbb: {  	s30 =	sld [smem:$0x0];
	_ =	sdelay $0x2  }
0xbc: {  	s31 =	sshll.u32 s1, $0xD;
	s1 =	sshrl.u32 s1, $0x2  }
0xbd: {  	s3 =	sand.u32 $0x4000, s31;
	s1 =	sadd.s32 s1, s30  }
0xbe: {  	s0 =	sor.u32 s3, s0;
	s1 =	sshll.u32 s1, $0x11  }
0xbf: {  	s0 =	sor.u32 s1, s0  }
0xc0: {  	s0 =	sadd.s32 $0x8F2B, s0  }
0xc1: {  	[sflag:s0] =	ssyncadd.remote.s32 $0x1  }
0xc2: {  	_ =	sfence.sel $0xFFFF  }
0xc3: {  	[dreg:$0x0] =	wrdreg $0xFFFFFFFF;
	(pc) =	sbr.abs _section_cstart, $3  }
0xc4: {  	[dreg:$0x1] =	wrdreg $0xFFFFFFFF  }
0xc5: {  	_ =	task.clear_ibuf [dreg:s9], $0x2FFFF;
	_ =	strace $0x9FFFFFFF  }
0xc6: {  	(tm) =	ssettm $0x7FFFFFFF  }
0xc7: {  	_ =	shalt  }
tec
execute0_lowered:
.L_overlay_start_1:
0x0: {  	(tag) =	ssettag $0x1  }
0x1: {  	s0 =	rddreg [dreg:$0x1]  }
0x2: {  	s1 =	rddreg [dreg:$0x2]  }
0x3: {  	s2 =	rddreg [dreg:$0x3];
	s4 =	srdreg.scid  }
0x4: {  	s7 =	stileid.u32;
	s3 =	simm.s32 $0x0;
	s9 =	simm.s32 $0x180  }
0x5: {  	s28 =	simm.s32 $0xCFA0;
	s29 =	simm.s32 $0x520;
	s30 =	simm.s32 $0x10FA0  }
0x6: {  	s31 =	simm.s32 $0x5A0;
	s12 =	simm.s32 $0x7;
	s13 =	simm.s32 $0x19020  }
0x7: {  	s14 =	simm.s32 $0x6;
	s4 =	sand.u32 $0x1, s4;
	s5 =	sshll.u32 s7, $0x1  }
0x8: {  	[smem:$0x7FF] =	sst s3;
	s21 =	sadd.s32 $0x186800, s1;
	p1 =	sne.s32 s7, $0x0  }
0x9: {  	s7 =	simm.s32 $0x3;
	s5 =	sor.u32 s4, s5;
	_ =	strace $0x80000047  }
0xa: {  	s4 =	ssub.s32 $0x2, s4;
	[dreg:$0x7] =	wrdreg s21;
	s6 =	smul.u32 $0xC80, s5  }
0xb: {  	s18 =	sshrl.u32 @!p1 s2, $0x3;
	s21 =	simm.s32 $0xFA0;
	s11 =	smul.u32 $0x64000, s5  }
0xc: {  	s8 =	sshrl.u32 s4, $0x1;
	p0 =	seq.s32 s5, $0x1F;
	s20 =	smul.u32 $0xC800, s5  }
0xd: {  	s5 =	sadd.s32 $0x3070, s0;
	s9 =	simm.s32 @!p0 $0xA80;
	s8 =	ssub.s32 s4, s8  }
0xe: {  	s10 =	sshrl.u32 s6, $0x3;
	s6 =	sadd.s32 s6, s9;
	s19 =	sshrl.u32 s11, $0x3  }
0xf: {  	s11 =	smax.u32 s8, $0x1;
	s8 =	simm.s32 $0x4;
	s4 =	sadd.s32 s0, s10  }
0x10: {  	s6 =	sshll.u32 s6, $0x4;
	s9 =	sadd.s32 s1, s19;
	s0 =	sadd.s32 $0x30D0, s0  }
0x11: {  	s19 =	simm.s32 $0x80;
	s10 =	simm.s32 $0x18FA0;
	s9 =	sadd.s32 $0xC000, s9  }
0x12: {  	s6 =	sadd.s32 s1, s6;
	[dreg:$0x5] =	wrdreg s9;
	s9 =	sadd.s32 s1, s20  }
0x13: {  	[dreg:$0x6] =	wrdreg s0;
	s0 =	simm.s32 $0x14FA0;
	s22 =	sadd.s32 $0x1800, s9  }
0x14: {  	s1 =	simm.s32 $0x2;
	s23 =	sadd.s32 $0x3000, s9;
	[dreg:$0x8] =	wrdreg s22  }
.Ltmp0:
0x15: {  	s24 =	sadd.s32 $0x4800, s9;
	[dreg:$0x9] =	wrdreg s23;
	(pc) =	sbr.rel .LBB2_1-.Ltmp0, $4  }
0x16: {  	s20 =	simm.s32 $0x5;
	s25 =	sadd.s32 $0x6000, s9;
	[dreg:$0xa] =	wrdreg s24  }
0x17: {  	s26 =	sadd.s32 $0x7800, s9;
	s17 =	sadd.s32 $0x9000, s9;
	[dreg:$0xb] =	wrdreg s25  }
0x18: {  	[dreg:$0xc] =	wrdreg s26;
	s22 =	simm.s32 $0x3A0;
	s23 =	simm.s32 $0x4FA0  }
0x19: {  	s24 =	simm.s32 $0x420;
	s25 =	simm.s32 $0x8FA0;
	s26 =	simm.s32 $0x4A0  }
.LBB2_3:
0x1a: {  	_ =	swait.ge [sflag:s7], $0xC000  }
0x1b: {  	[sflag:s7] =	ssyncset.done $0x0  }
0x1c: {  	[sflag:s7] =	ssyncadd.s32 $0xFFFF4000  }
0x1d: {  	[hbm4b:s6+s3] =	stream.linear.scatter [tilespmem:s28], [sflag:$0x5], $0xC000, $0x38;
	[tilespmem:$0x1A020] =	vst v63  }
0x1e: {  	_ =	swait.ge [sflag:s8], $0xC000  }
0x1f: {  	[sflag:s8] =	ssyncset.done $0x0  }
0x20: {  	s15 =	rddreg [dreg:$0x6];
	[sflag:s8] =	ssyncadd.s32 $0xFFFF4000  }
0x21: {  	[tilespmem:s10], [sflag:$0x7] =	stream.linear.gather [hbm4b:s15+s3], $0x20, $0x38;
	[tilespmem:$0x1A020] =	vst v63  }
0x22: {  	_ =	swait.ge [sflag:s12], $0x20  }
0x23: {  	[sflag:s12] =	ssyncset.done $0x0  }
0x24: {  	s16 =	simm.s32 $0x20;
	[sflag:s12] =	ssyncadd.s32 $0xFFFFFFE0  }
0x25: {  	[tilespmem:s13], [sflag:$0x6] =	stream.indirect.gather [spmem:s2], $0x80, s10, s16, $0xb8;
	[tilespmem:$0x1A020] =	vst v63  }
0x26: {  	_ =	swait.ge [sflag:s14], $0x1000  }
0x27: {  	[sflag:s14] =	ssyncset.done $0x0  }
0x28: {  	s16 =	rddreg [dreg:$0x7];
	[sflag:s14] =	ssyncadd.s32 $0xFFFFF000  }
0x29: {  	[hbm4b:s16+s3] =	stream.linear.scatter [tilespmem:s13], [sflag:$0x7], $0x1000, $0x38;
	[tilespmem:$0x1A020] =	vst v63  }
0x2a: {  	_ =	swait.ge [sflag:s12], $0x1000  }
0x2b: {  	[sflag:s12] =	ssyncset.done $0x0  }
0x2c: {  	[sflag:s12] =	ssyncadd.s32 $0xFFFFF000  }
.LBB2_4:
0x2d: {  	s11 =	sadd.s32 $0xFFFFFFFF, s11  }
0x2e: {  	p2 =	sne.s32 s11, $0x0  }
.Ltmp1:
0x2f: {  	_ = 	snop;
	(pc) =	sbr.rel @!p2 .LBB2_5-.Ltmp1, $4  }
0x30: {  	_ = 	snop  }
0x31: {  	_ =	swait.ge [sflag:s20], $0xC000  }
0x32: {  	[sflag:s20] =	ssyncset.done $0x0  }
0x33: {  	[sflag:s20] =	ssyncadd.s32 $0xFFFF4000  }
.LBB2_1:
0x34: {  	s15 =	simm.s32 @p0 $0x0;
	s16 =	simm.s32 @p0 $0x320  }
0x35: {  	[tilespmem:s16], [sflag:$0x1] =	stream.linear.gather @p0 [hbm4b:s5+s15], $0x320, $0x38;
	[tilespmem:$0x1A020] =	vst v63  }
0x36: {  	s15 =	simm.s32 @p0 $0x1  }
0x37: {  	_ =	swait.ge @p0 [sflag:s15], $0x320  }
0x38: {  	[sflag:s15] =	ssyncset.done @p0 $0x0  }
0x39: {  	s16 =	simm.s32 @!p0 $0x320;
	[sflag:s15] =	ssyncadd.s32 @p0 $0xFFFFFCE0;
	s15 =	simm.s32 @!p0 $0x0  }
0x3a: {  	[tilespmem:s16], [sflag:$0x1] =	stream.linear.gather @!p0 [hbm4b:s4+s15], $0xC80, $0x38;
	[tilespmem:$0x1A020] =	vst v63  }
0x3b: {  	s15 =	simm.s32 @!p0 $0x1  }
0x3c: {  	_ =	swait.ge @!p0 [sflag:s15], $0xC80  }
0x3d: {  	[sflag:s15] =	ssyncset.done @!p0 $0x0  }
0x3e: {  	[sflag:s15] =	ssyncadd.s32 @!p0 $0xFFFFF380  }
0x3f: {  	s15 =	simm.s32 @!p1 $0x1C07;
	s16 =	rddreg [dreg:$0x0]  }
0x40: {  	[spmem:s18], [sflag:s15] =	dma.local @!p1 [hbm:s16], $0x640  }
0x41: {  	s15 =	simm.s32 @!p1 $0x7  }
0x42: {  	_ =	swait.ge @!p1 [sflag:s15], $0x640  }
0x43: {  	[sflag:s15] =	ssyncset.done @!p1 $0x0  }
0x44: {  	[sflag:s15] =	ssyncadd.s32 @!p1 $0xFFFFF9C0  }
0x45: {  	s16 =	simm.s32 $0x320;
	[bflag:$0x0] =	sbarrier.arrive $0xFFFF  }
0x46: {  	[tilespmem:s21], [sflag:$0x2] =	stream.indirect.gather [spmem:s2], $0x80, s16, s19, $0xb8;
	[tilespmem:$0x1A020] =	vst v63  }
0x47: {  	_ = 	snop  }
0x48: {  	[tilespmem:s23], [sflag:$0x2] =	stream.indirect.gather [spmem:s2], $0x80, s22, s19, $0xb8;
	[tilespmem:$0x1A020] =	vst v63  }
0x49: {  	_ = 	snop  }
0x4a: {  	[tilespmem:s25], [sflag:$0x2] =	stream.indirect.gather [spmem:s2], $0x80, s24, s19, $0xb8;
	[tilespmem:$0x1A020] =	vst v63  }
0x4b: {  	_ = 	snop  }
0x4c: {  	[tilespmem:s28], [sflag:$0x3] =	stream.indirect.gather [spmem:s2], $0x80, s26, s19, $0xb8;
	[tilespmem:$0x1A020] =	vst v63  }
0x4d: {  	_ = 	snop  }
0x4e: {  	[tilespmem:s30], [sflag:$0x3] =	stream.indirect.gather [spmem:s2], $0x80, s29, s19, $0xb8;
	[tilespmem:$0x1A020] =	vst v63  }
0x4f: {  	_ = 	snop  }
0x50: {  	[tilespmem:s0], [sflag:$0x3] =	stream.indirect.gather [spmem:s2], $0x80, s31, s19, $0xb8;
	[tilespmem:$0x1A020] =	vst v63  }
.Ltmp2:
0x51: {  	_ = 	snop;
	(pc) =	sbr.rel @p0 .LBB2_3-.Ltmp2, $4  }
0x52: {  	_ =	swait.ge [sflag:s1], $0xC000  }
0x53: {  	[sflag:s1] =	ssyncset.done $0x0  }
0x54: {  	[sflag:s1] =	ssyncadd.s32 $0xFFFF4000  }
0x55: {  	[hbm4b:s9+s3] =	stream.linear.scatter [tilespmem:s21], [sflag:$0x4], $0xC000, $0x38;
	[tilespmem:$0x1A020] =	vst v63  }
0x56: {  	_ =	swait.ge [sflag:s8], $0xC000  }
0x57: {  	[sflag:s8] =	ssyncset.done $0x0  }
0x58: {  	s15 =	simm.s32 $0x620;
	[sflag:s8] =	ssyncadd.s32 $0xFFFF4000  }
0x59: {  	[tilespmem:s21], [sflag:$0x2] =	stream.indirect.gather [spmem:s2], $0x80, s15, s19, $0xb8;
	[tilespmem:$0x1A020] =	vst v63  }
0x5a: {  	s16 =	simm.s32 $0x6A0  }
0x5b: {  	[tilespmem:s23], [sflag:$0x2] =	stream.indirect.gather [spmem:s2], $0x80, s16, s19, $0xb8;
	[tilespmem:$0x1A020] =	vst v63  }
0x5c: {  	s16 =	simm.s32 $0x720  }
0x5d: {  	[tilespmem:s25], [sflag:$0x2] =	stream.indirect.gather [spmem:s2], $0x80, s16, s19, $0xb8;
	[tilespmem:$0x1A020] =	vst v63  }
0x5e: {  	_ =	swait.ge [sflag:s7], $0xC000  }
0x5f: {  	[sflag:s7] =	ssyncset.done $0x0  }
0x60: {  	s16 =	rddreg [dreg:$0x8];
	[sflag:s7] =	ssyncadd.s32 $0xFFFF4000  }
0x61: {  	[hbm4b:s16+s3] =	stream.linear.scatter [tilespmem:s28], [sflag:$0x5], $0xC000, $0x38;
	[tilespmem:$0x1A020] =	vst v63  }
0x62: {  	_ =	swait.ge [sflag:s20], $0xC000  }
0x63: {  	[sflag:s20] =	ssyncset.done $0x0  }
0x64: {  	s16 =	simm.s32 $0x7A0;
	[sflag:s20] =	ssyncadd.s32 $0xFFFF4000  }
0x65: {  	[tilespmem:s28], [sflag:$0x3] =	stream.indirect.gather [spmem:s2], $0x80, s16, s19, $0xb8;
	[tilespmem:$0x1A020] =	vst v63  }
0x66: {  	s16 =	simm.s32 $0x820  }
0x67: {  	[tilespmem:s30], [sflag:$0x3] =	stream.indirect.gather [spmem:s2], $0x80, s16, s19, $0xb8;
	[tilespmem:$0x1A020] =	vst v63  }
0x68: {  	s16 =	simm.s32 $0x8A0  }
0x69: {  	[tilespmem:s0], [sflag:$0x3] =	stream.indirect.gather [spmem:s2], $0x80, s16, s19, $0xb8;
	[tilespmem:$0x1A020] =	vst v63  }
0x6a: {  	_ =	swait.ge [sflag:s1], $0xC000  }
0x6b: {  	[sflag:s1] =	ssyncset.done $0x0  }
0x6c: {  	s16 =	rddreg [dreg:$0x9];
	[sflag:s1] =	ssyncadd.s32 $0xFFFF4000  }
0x6d: {  	[hbm4b:s16+s3] =	stream.linear.scatter [tilespmem:s21], [sflag:$0x4], $0xC000, $0x38;
	[tilespmem:$0x1A020] =	vst v63  }
0x6e: {  	_ =	swait.ge [sflag:s8], $0xC000  }
0x6f: {  	[sflag:s8] =	ssyncset.done $0x0  }
0x70: {  	s16 =	simm.s32 $0x920;
	[sflag:s8] =	ssyncadd.s32 $0xFFFF4000  }
0x71: {  	[tilespmem:s21], [sflag:$0x2] =	stream.indirect.gather [spmem:s2], $0x80, s16, s19, $0xb8;
	[tilespmem:$0x1A020] =	vst v63  }
0x72: {  	s16 =	simm.s32 $0x9A0  }
0x73: {  	[tilespmem:s23], [sflag:$0x2] =	stream.indirect.gather [spmem:s2], $0x80, s16, s19, $0xb8;
	[tilespmem:$0x1A020] =	vst v63  }
0x74: {  	s16 =	simm.s32 $0xA20  }
0x75: {  	[tilespmem:s25], [sflag:$0x2] =	stream.indirect.gather [spmem:s2], $0x80, s16, s19, $0xb8;
	[tilespmem:$0x1A020] =	vst v63  }
0x76: {  	_ =	swait.ge [sflag:s7], $0xC000  }
0x77: {  	[sflag:s7] =	ssyncset.done $0x0  }
0x78: {  	s16 =	rddreg [dreg:$0xa];
	[sflag:s7] =	ssyncadd.s32 $0xFFFF4000  }
0x79: {  	[hbm4b:s16+s3] =	stream.linear.scatter [tilespmem:s28], [sflag:$0x5], $0xC000, $0x38;
	[tilespmem:$0x1A020] =	vst v63  }
0x7a: {  	_ =	swait.ge [sflag:s20], $0xC000  }
0x7b: {  	[sflag:s20] =	ssyncset.done $0x0  }
0x7c: {  	s16 =	simm.s32 $0xAA0;
	[sflag:s20] =	ssyncadd.s32 $0xFFFF4000  }
0x7d: {  	[tilespmem:s28], [sflag:$0x3] =	stream.indirect.gather [spmem:s2], $0x80, s16, s19, $0xb8;
	[tilespmem:$0x1A020] =	vst v63  }
0x7e: {  	s16 =	simm.s32 $0xB20  }
0x7f: {  	[tilespmem:s30], [sflag:$0x3] =	stream.indirect.gather [spmem:s2], $0x80, s16, s19, $0xb8;
	[tilespmem:$0x1A020] =	vst v63  }
0x80: {  	s16 =	simm.s32 $0xBA0  }
0x81: {  	[tilespmem:s0], [sflag:$0x3] =	stream.indirect.gather [spmem:s2], $0x80, s16, s19, $0xb8;
	[tilespmem:$0x1A020] =	vst v63  }
0x82: {  	_ =	swait.ge [sflag:s1], $0xC000  }
0x83: {  	[sflag:s1] =	ssyncset.done $0x0  }
0x84: {  	s16 =	rddreg [dreg:$0xb];
	[sflag:s1] =	ssyncadd.s32 $0xFFFF4000  }
0x85: {  	[hbm4b:s16+s3] =	stream.linear.scatter [tilespmem:s21], [sflag:$0x4], $0xC000, $0x38;
	[tilespmem:$0x1A020] =	vst v63  }
0x86: {  	_ =	swait.ge [sflag:s8], $0xC000  }
0x87: {  	[sflag:s8] =	ssyncset.done $0x0  }
0x88: {  	s16 =	simm.s32 $0xC20;
	[sflag:s8] =	ssyncadd.s32 $0xFFFF4000  }
0x89: {  	[tilespmem:s21], [sflag:$0x2] =	stream.indirect.gather [spmem:s2], $0x80, s16, s19, $0xb8;
	[tilespmem:$0x1A020] =	vst v63  }
0x8a: {  	s16 =	simm.s32 $0xCA0  }
0x8b: {  	[tilespmem:s23], [sflag:$0x2] =	stream.indirect.gather [spmem:s2], $0x80, s16, s19, $0xb8;
	[tilespmem:$0x1A020] =	vst v63  }
0x8c: {  	s16 =	simm.s32 $0xD20  }
0x8d: {  	[tilespmem:s25], [sflag:$0x2] =	stream.indirect.gather [spmem:s2], $0x80, s16, s19, $0xb8;
	[tilespmem:$0x1A020] =	vst v63  }
0x8e: {  	_ =	swait.ge [sflag:s7], $0xC000  }
0x8f: {  	[sflag:s7] =	ssyncset.done $0x0  }
0x90: {  	s16 =	rddreg [dreg:$0xc];
	[sflag:s7] =	ssyncadd.s32 $0xFFFF4000  }
0x91: {  	[hbm4b:s16+s3] =	stream.linear.scatter [tilespmem:s28], [sflag:$0x5], $0xC000, $0x38;
	[tilespmem:$0x1A020] =	vst v63  }
0x92: {  	_ =	swait.ge [sflag:s20], $0xC000  }
0x93: {  	[sflag:s20] =	ssyncset.done $0x0  }
0x94: {  	s16 =	simm.s32 $0xDA0;
	[sflag:s20] =	ssyncadd.s32 $0xFFFF4000  }
0x95: {  	[tilespmem:s28], [sflag:$0x3] =	stream.indirect.gather [spmem:s2], $0x80, s16, s19, $0xb8;
	[tilespmem:$0x1A020] =	vst v63  }
0x96: {  	s16 =	simm.s32 $0xE20  }
0x97: {  	[tilespmem:s30], [sflag:$0x3] =	stream.indirect.gather [spmem:s2], $0x80, s16, s19, $0xb8;
	[tilespmem:$0x1A020] =	vst v63  }
0x98: {  	s16 =	simm.s32 $0xEA0  }
0x99: {  	[tilespmem:s0], [sflag:$0x3] =	stream.indirect.gather [spmem:s2], $0x80, s16, s19, $0xb8;
	[tilespmem:$0x1A020] =	vst v63  }
0x9a: {  	_ =	swait.ge [sflag:s1], $0xC000  }
0x9b: {  	[sflag:s1] =	ssyncset.done $0x0  }
0x9c: {  	[sflag:s1] =	ssyncadd.s32 $0xFFFF4000  }
0x9d: {  	[hbm4b:s17+s3] =	stream.linear.scatter [tilespmem:s21], [sflag:$0x4], $0xC000, $0x38;
	[tilespmem:$0x1A020] =	vst v63  }
0x9e: {  	_ =	swait.ge [sflag:s7], $0xC000  }
0x9f: {  	[sflag:s7] =	ssyncset.done $0x0  }
0xa0: {  	[sflag:s7] =	ssyncadd.s32 $0xFFFF4000  }
0xa1: {  	[hbm4b:s6+s3] =	stream.linear.scatter [tilespmem:s28], [sflag:$0x5], $0xC000, $0x38;
	[tilespmem:$0x1A020] =	vst v63  }
0xa2: {  	_ =	swait.ge [sflag:s8], $0xC000  }
0xa3: {  	[sflag:s8] =	ssyncset.done $0x0  }
0xa4: {  	s16 =	simm.s32 $0xF20;
	[sflag:s8] =	ssyncadd.s32 $0xFFFF4000  }
0xa5: {  	[tilespmem:s21], [sflag:$0x2] =	stream.indirect.gather [spmem:s2], $0x80, s16, s19, $0xb8;
	[tilespmem:$0x1A020] =	vst v63  }
0xa6: {  	_ =	swait.ge [sflag:s1], $0x4000  }
0xa7: {  	[sflag:s1] =	ssyncset.done $0x0  }
.Ltmp3:
0xa8: {  	s16 =	rddreg [dreg:$0x5];
	[sflag:s1] =	ssyncadd.s32 $0xFFFFC000;
	(pc) =	sbr.rel .LBB2_4-.Ltmp3, $4  }
0xa9: {  	[hbm4b:s16+s3] =	stream.linear.scatter [tilespmem:s21], [sflag:$0x4], $0x4000, $0x38;
	[tilespmem:$0x1A020] =	vst v63  }
0xaa: {  	_ =	swait.ge [sflag:s8], $0x4000  }
0xab: {  	[sflag:s8] =	ssyncset.done $0x0  }
0xac: {  	[sflag:s8] =	ssyncadd.s32 $0xFFFFC000  }
.LBB2_5:
0xad: {  	_ =	sfence.sel $0x180000  }
0xae: {  	[bflag:$0x0] =	sbarrier.arrive $0xFFFF  }
0xaf: {  	_ =	strace $0x90000047  }
0xb0: {  	[bflag:$0x2] =	sbarrier.arrive $0xFFFF  }
0xb1: {  	s0 =	rddreg [dreg:$0x4]  }
0xb2: {  	s0 =	sadd.s32 @!p1 $0x100000, s0  }
0xb3: {  	[sflag:s0] =	ssyncadd.tile.s32 @!p1 $0x1;
	_ =	shalt  }
.Lfunc_end2:
_tile_overlayer_lowered:
.L_overlay_start_2:
0xb4: {  	(tag) =	ssettag $0x2  }
0xb5: {  	s0 =	rddreg [dreg:$0x0];
	s2 =	stileid.u32  }
0xb6: {  	s1 =	rddreg [dreg:$0x1];
	p0 =	sne.s32 s2, $0x0  }
0xb7: {  	s3 =	rddreg [dreg:$0x2];
	[bflag:$0x3] =	sbarrier.arrive $0xFFFF;
	s2 =	simm.s32 @!p0 $0x1C07  }
0xb8: {  	[timem:s3], [sflag:s2] =	dma.local @!p0 [hbm:s0], s1  }
0xb9: {  	s0 =	simm.s32 @!p0 $0x7  }
0xba: {  	_ =	swait.ge @!p0 [sflag:s0], s1  }
0xbb: {  	s1 =	ssub.s32 @!p0 $0x0, s1;
	[sflag:s0] =	ssyncset.done @!p0 $0x0  }
0xbc: {  	[sflag:s0] =	ssyncadd.s32 @!p0 s1  }
0xbd: {  	[bflag:$0x3] =	sbarrier.arrive $0xFFFF  }
0xbe: {  	_ =	shalt  }

</sc_bundles>
